<compile_context>
chip_gen: v7x
topology: tpu7x:2x2x1
jax: 0.10.2.dev20260603
libtpu: 0.0.44.dev20260713+nightly
codegen_flags: <defaults>
</compile_context>

<pallas_src>
import jax
import jax.numpy as jnp
from jax import lax
from jax.experimental import pallas as pl
from jax.experimental.pallas import tpu as pltpu
from jax.experimental.pallas import tpu_sc as plsc

B = 1024
D = 256
K = 1024
GAMMA = 0.99
EPS = 1e-05

NC = 2
NS = 16
NW = NC * NS
L = 16
BPW = B // NW
DC = D // L


def _tc_top2(x_ref, w_ref, am1_ref, am2_ref, wt_ref):
    x = x_ref[...]
    w = w_ref[...]
    wt_ref[...] = w.T
    wsq = jnp.sum(w * w, axis=0, keepdims=True)
    xw = jax.lax.dot_general(
        x, w, (((1,), (0,)), ((), ())),
        preferred_element_type=jnp.float32,
        precision=jax.lax.Precision.HIGHEST,
    )
    scores = wsq - 2.0 * xw
    col = jax.lax.broadcasted_iota(jnp.int32, (B, K), 1)
    am1 = jnp.argmin(scores, axis=1).astype(jnp.int32)
    masked = jnp.where(col == am1[:, None], jnp.inf, scores)
    am2 = jnp.argmin(masked, axis=1).astype(jnp.int32)
    am1_ref[...] = am1
    am2_ref[...] = am2


def _lane_take(v, idx):
    dnums = lax.GatherDimensionNumbers(
        offset_dims=(), collapsed_slice_dims=(0,), start_index_map=(0,))
    return lax.gather(v, idx[:, None], dnums, slice_sizes=(1,),
                      mode=lax.GatherScatterMode.PROMISE_IN_BOUNDS)


def _sc_recheck(x_hbm, wt_hbm, am1_hbm, am2_hbm, am_hbm,
                idx_v, rows_v, x_v, sel_v, semx, semi, semg):
    wid = lax.axis_index("s") * NC + lax.axis_index("c")
    base = wid * BPW
    xcp = pltpu.async_copy(x_hbm.at[pl.ds(base, BPW)], x_v, semx)
    i1cp = pltpu.async_copy(am1_hbm.at[pl.ds(base, BPW)],
                            idx_v.at[pl.ds(0, BPW)], semi)
    i2cp = pltpu.async_copy(am2_hbm.at[pl.ds(base, BPW)],
                            idx_v.at[pl.ds(BPW, BPW)], semi)
    i1cp.wait()
    i2cp.wait()
    gcp = pltpu.async_copy(wt_hbm.at[idx_v], rows_v, semg)
    xcp.wait()
    gcp.wait()

    lanes = lax.broadcasted_iota(jnp.int32, (L,), 0)
    NG = BPW // L

    def row_body(r, carry):
        masks = list(carry)
        lane = lanes == r
        for g in range(NG):
            row = g * L + r
            z = jnp.zeros((L,), jnp.float32)

            def chunk_body(cb, accs):
                a1, a2 = accs
                for u in range(4):
                    off = (cb * 4 + u) * L
                    xs = x_v[row, pl.ds(off, L)]
                    w1 = rows_v[row, pl.ds(off, L)]
                    w2 = rows_v[row + BPW, pl.ds(off, L)]
                    d1 = xs - w1
                    d2 = xs - w2
                    a1 = a1 + d1 * d1
                    a2 = a2 + d2 * d2
                return (a1, a2)

            a1, a2 = lax.fori_loop(0, DC // 4, chunk_body, (z, z))
            e = a1 - a2
            for k in (8, 4, 2, 1):
                e = e + _lane_take(e, lanes ^ k)
            masks[2 * g] = jnp.where(lane, jnp.where(e < 0.0, 1, 0),
                                     masks[2 * g])
            masks[2 * g + 1] = jnp.where(lane, jnp.where(e > 0.0, 1, 0),
                                         masks[2 * g + 1])
        return tuple(masks)

    zi = jnp.zeros((L,), jnp.int32)
    out_masks = lax.fori_loop(0, L, row_body, (zi, zi, zi, zi))
    for g in range(NG):
        lt, gt = out_masks[2 * g], out_masks[2 * g + 1]
        i1 = idx_v[pl.ds(g * L, L)]
        i2 = idx_v[pl.ds(BPW + g * L, L)]
        sel = jnp.where(lt == 1, i1,
                        jnp.where(gt == 1, i2, jnp.minimum(i1, i2)))
        sel_v[pl.ds(g * L, L)] = sel

    pltpu.sync_copy(sel_v, am_hbm.at[pl.ds(base, BPW)])


def _tc_ema(x_ref, am_ref, cs_ref, ea_ref, nw_ref, ncs_ref, nea_ref):
    x = x_ref[...]
    am = am_ref[...]
    col = jax.lax.broadcasted_iota(jnp.int32, (B, K), 1)
    onehot = (col == am[:, None]).astype(jnp.float32)
    counts = jnp.sum(onehot, axis=0)
    embed_sum = jax.lax.dot_general(
        x, onehot, (((0,), (0,)), ((), ())),
        preferred_element_type=jnp.float32,
        precision=jax.lax.Precision.DEFAULT,
    )
    n_idx = jnp.where(counts == 0.0, 1.0, counts)
    ncs = cs_ref[...] * GAMMA + (1.0 - GAMMA) * n_idx
    nea = ea_ref[...] * GAMMA + (1.0 - GAMMA) * embed_sum
    n = jnp.sum(ncs)
    cs_norm = (ncs + EPS) / (n + K * EPS) * n
    nw_ref[...] = nea / cs_norm[None, :]
    ncs_ref[...] = ncs
    nea_ref[...] = nea


def kernel(x, weight, cluster_size, embed_avg):
    am1, am2, wt = pl.pallas_call(
        _tc_top2,
        out_shape=(
            jax.ShapeDtypeStruct((B,), jnp.int32),
            jax.ShapeDtypeStruct((B,), jnp.int32),
            jax.ShapeDtypeStruct((K, D), jnp.float32),
        ),
    )(x, weight)

    sc_fn = pl.kernel(
        _sc_recheck,
        out_type=jax.ShapeDtypeStruct((B,), jnp.int32),
        mesh=plsc.VectorSubcoreMesh(core_axis_name="c", subcore_axis_name="s"),
        scratch_types=[
            pltpu.VMEM((2 * BPW,), jnp.int32),
            pltpu.VMEM((2 * BPW, D), jnp.float32),
            pltpu.VMEM((BPW, D), jnp.float32),
            pltpu.VMEM((BPW,), jnp.int32),
            pltpu.SemaphoreType.DMA,
            pltpu.SemaphoreType.DMA,
            pltpu.SemaphoreType.DMA,
        ],
    )
    am = sc_fn(x, wt, am1, am2)

    new_weight, new_cluster_size, new_embed_avg = pl.pallas_call(
        _tc_ema,
        out_shape=(
            jax.ShapeDtypeStruct((D, K), jnp.float32),
            jax.ShapeDtypeStruct((K,), jnp.float32),
            jax.ShapeDtypeStruct((D, K), jnp.float32),
        ),
    )(x, am, cluster_size, embed_avg)
    return (new_weight, new_cluster_size, new_embed_avg, am)

# --- scband reference (transcript-rebuilt; emitter-appended) ---
"""Pipeline reference for scband-clustering-ema-torch-73237782331475 (READ-ONLY COPY).

The authoritative reference and input builder live on the scoring server;
editing this copy changes nothing except your own understanding.
"""

import jax, jax.numpy as jnp
import numpy as np

B = 1024
D = 256
K = 1024
GAMMA = 0.99
EPS = 1e-05


def setup_inputs(seed: int = 0) -> dict:
    key = jax.random.key(seed)
    k1, k2, k3 = jax.random.split(key, 3)
    x = jax.random.normal(k1, (B, D), dtype=jnp.float32)
    weight = jax.random.normal(k2, (D, K), dtype=jnp.float32)
    cluster_size = jnp.ones((K,), dtype=jnp.float32)
    embed_avg = jax.random.normal(k3, (D, K), dtype=jnp.float32)
    return {"x": x, "weight": weight, "cluster_size": cluster_size, "embed_avg": embed_avg}


def reference(x, weight, cluster_size, embed_avg):
    # find_nearest_centroids: dist over feature dim -> (B, K)
    diff = x[:, :, None] - weight[None, :, :]
    dist = jnp.sqrt(jnp.sum(diff * diff, axis=1))
    argmin = jnp.argmin(dist, axis=-1)
    # one-hot assignment (B, K)
    latent_indices = jnp.arange(K)
    emb_onehot = (argmin[:, None] == latent_indices[None, :]).astype(x.dtype)
    n_idx_choice = emb_onehot.sum(0)
    n_idx_choice = jnp.where(n_idx_choice == 0, jnp.ones_like(n_idx_choice), n_idx_choice)
    # EMA updates
    new_cluster_size = cluster_size * GAMMA + (1.0 - GAMMA) * n_idx_choice
    flatten = x.T  # (D, B)
    embed_sum = flatten @ emb_onehot  # (D, K)
    new_embed_avg = embed_avg * GAMMA + (1.0 - GAMMA) * embed_sum
    n = new_cluster_size.sum()
    cs_norm = (new_cluster_size + EPS) / (n + K * EPS) * n
    new_weight = new_embed_avg / cs_norm[None, :]
    return (new_weight, new_cluster_size, new_embed_avg, argmin)

if __name__ == "__main__":
    import jax
    _d = setup_inputs()
    print(jax.jit(kernel)(*tuple(_d.values())))

</pallas_src>

<mosaic_0001>
#map = affine_map<(d0, d1) -> (0, 0)>
#map1 = affine_map<(d0, d1) -> (0)>
module attributes {stable_mosaic.version = 14 : i64} {
  func.func @_sc_recheck(%arg0: i32, %arg1: i32, %arg2: memref<1024x256xf32, #tpu.memory_space<hbm>>, %arg3: memref<1024x256xf32, #tpu.memory_space<hbm>>, %arg4: memref<1024xi32, #tpu.memory_space<hbm>>, %arg5: memref<1024xi32, #tpu.memory_space<hbm>>, %arg6: memref<1024xi32, #tpu.memory_space<hbm>>, %arg7: memref<64xi32, #tpu.memory_space<vmem>>, %arg8: memref<64x256xf32, #tpu.memory_space<vmem>>, %arg9: memref<32x256xf32, #tpu.memory_space<vmem>>, %arg10: memref<32xi32, #tpu.memory_space<vmem>>, %arg11: memref<!tpu.dma_semaphore, #tpu.memory_space<semaphore_mem>>, %arg12: memref<!tpu.dma_semaphore, #tpu.memory_space<semaphore_mem>>, %arg13: memref<!tpu.dma_semaphore, #tpu.memory_space<semaphore_mem>>) attributes {dimension_semantics = [#tpu.dimension_semantics<core_parallel>, #tpu.dimension_semantics<subcore_parallel>], iteration_bounds = array<i64: 2, 16>, scalar_prefetch = 0 : i64, scratch_operands = 7 : i64, tpu.core_type = #tpu.core_type<sc_vector_subcore>, window_params = [{transform_indices = #map}, {transform_indices = #map}, {transform_indices = #map1}, {transform_indices = #map1}, {transform_indices = #map1}]} {
    %mul3A = arith.constant 2 : i32
    %mul3A_0 = arith.muli %arg1, %mul3A : i32
    %add3A = arith.addi %mul3A_0, %arg0 : i32
    %mul3A_1 = arith.constant 32 : i32
    %mul3A_2 = arith.muli %add3A, %mul3A_1 : i32
    %dma_start3A = arith.constant 0 : i32
    %dma_start3A_3 = tpu.memref_slice %arg2[%mul3A_2, %dma_start3A] : memref<1024x256xf32, #tpu.memory_space<hbm>> -> memref<32x256xf32, #tpu.memory_space<hbm>>
    %dma_start3A_4 = arith.constant 0 : i32
    %dma_start3A_5 = tpu.memref_slice %arg2[%mul3A_2, %dma_start3A_4] : memref<1024x256xf32, #tpu.memory_space<hbm>> -> memref<32x256xf32, #tpu.memory_space<hbm>>
    tpu.enqueue_dma source(%dma_start3A_5 : memref<32x256xf32, #tpu.memory_space<hbm>>) target(%arg9 : memref<32x256xf32, #tpu.memory_space<vmem>>) target_semaphore(%arg11 : memref<!tpu.dma_semaphore, #tpu.memory_space<semaphore_mem>>)
    %dma_start3A_6 = arith.constant 0 : i32
    %dma_start3A_7 = tpu.memref_slice %arg7[%dma_start3A_6] : memref<64xi32, #tpu.memory_space<vmem>> -> memref<32xi32, #tpu.memory_space<vmem>>
    %dma_start3A_8 = tpu.memref_slice %arg4[%mul3A_2] : memref<1024xi32, #tpu.memory_space<hbm>> -> memref<32xi32, #tpu.memory_space<hbm>>
    %dma_start3A_9 = arith.constant 0 : i32
    %dma_start3A_10 = tpu.memref_slice %arg7[%dma_start3A_9] : memref<64xi32, #tpu.memory_space<vmem>> -> memref<32xi32, #tpu.memory_space<vmem>>
    %dma_start3A_11 = tpu.memref_slice %arg4[%mul3A_2] : memref<1024xi32, #tpu.memory_space<hbm>> -> memref<32xi32, #tpu.memory_space<hbm>>
    tpu.enqueue_dma source(%dma_start3A_11 : memref<32xi32, #tpu.memory_space<hbm>>) target(%dma_start3A_10 : memref<32xi32, #tpu.memory_space<vmem>>) target_semaphore(%arg12 : memref<!tpu.dma_semaphore, #tpu.memory_space<semaphore_mem>>)
    %dma_start3A_12 = arith.constant 32 : i32
    %dma_start3A_13 = tpu.memref_slice %arg7[%dma_start3A_12] : memref<64xi32, #tpu.memory_space<vmem>> -> memref<32xi32, #tpu.memory_space<vmem>>
    %dma_start3A_14 = tpu.memref_slice %arg5[%mul3A_2] : memref<1024xi32, #tpu.memory_space<hbm>> -> memref<32xi32, #tpu.memory_space<hbm>>
    %dma_start3A_15 = arith.constant 32 : i32
    %dma_start3A_16 = tpu.memref_slice %arg7[%dma_start3A_15] : memref<64xi32, #tpu.memory_space<vmem>> -> memref<32xi32, #tpu.memory_space<vmem>>
    %dma_start3A_17 = tpu.memref_slice %arg5[%mul3A_2] : memref<1024xi32, #tpu.memory_space<hbm>> -> memref<32xi32, #tpu.memory_space<hbm>>
    tpu.enqueue_dma source(%dma_start3A_17 : memref<32xi32, #tpu.memory_space<hbm>>) target(%dma_start3A_16 : memref<32xi32, #tpu.memory_space<vmem>>) target_semaphore(%arg12 : memref<!tpu.dma_semaphore, #tpu.memory_space<semaphore_mem>>)
    %dma_wait3A = arith.constant 0 : i32
    %dma_wait3A_18 = tpu.memref_slice %arg7[%dma_wait3A] : memref<64xi32, #tpu.memory_space<vmem>> -> memref<32xi32, #tpu.memory_space<vmem>>
    %dma_wait3A_19 = tpu.memref_slice %arg4[%mul3A_2] : memref<1024xi32, #tpu.memory_space<hbm>> -> memref<32xi32, #tpu.memory_space<hbm>>
    %dma_wait3A_20 = arith.constant 0 : i32
    %dma_wait3A_21 = tpu.memref_slice %arg7[%dma_wait3A_20] : memref<64xi32, #tpu.memory_space<vmem>> -> memref<32xi32, #tpu.memory_space<vmem>>
    %dma_wait3A_22 = tpu.memref_slice %arg4[%mul3A_2] : memref<1024xi32, #tpu.memory_space<hbm>> -> memref<32xi32, #tpu.memory_space<hbm>>
    tpu.wait_dma2 semaphore(%arg12 : memref<!tpu.dma_semaphore, #tpu.memory_space<semaphore_mem>>) src(%dma_wait3A_22 : memref<32xi32, #tpu.memory_space<hbm>>) dst(%dma_wait3A_21 : memref<32xi32, #tpu.memory_space<vmem>>)
    %dma_wait3A_23 = arith.constant 32 : i32
    %dma_wait3A_24 = tpu.memref_slice %arg7[%dma_wait3A_23] : memref<64xi32, #tpu.memory_space<vmem>> -> memref<32xi32, #tpu.memory_space<vmem>>
    %dma_wait3A_25 = tpu.memref_slice %arg5[%mul3A_2] : memref<1024xi32, #tpu.memory_space<hbm>> -> memref<32xi32, #tpu.memory_space<hbm>>
    %dma_wait3A_26 = arith.constant 32 : i32
    %dma_wait3A_27 = tpu.memref_slice %arg7[%dma_wait3A_26] : memref<64xi32, #tpu.memory_space<vmem>> -> memref<32xi32, #tpu.memory_space<vmem>>
    %dma_wait3A_28 = tpu.memref_slice %arg5[%mul3A_2] : memref<1024xi32, #tpu.memory_space<hbm>> -> memref<32xi32, #tpu.memory_space<hbm>>
    tpu.wait_dma2 semaphore(%arg12 : memref<!tpu.dma_semaphore, #tpu.memory_space<semaphore_mem>>) src(%dma_wait3A_28 : memref<32xi32, #tpu.memory_space<hbm>>) dst(%dma_wait3A_27 : memref<32xi32, #tpu.memory_space<vmem>>)
    %dma_start3A_29 = arith.constant 0 : i32
    %dma_start3A_30 = arith.constant 0 : i32
    %dma_start3A_31 = tpu.memref_slice %arg3[%dma_start3A_29, %dma_start3A_30] : memref<1024x256xf32, #tpu.memory_space<hbm>> -> memref<1024x256xf32, #tpu.memory_space<hbm>>
    tpu.enqueue_indirect_dma source(%dma_start3A_31 : memref<1024x256xf32, #tpu.memory_space<hbm>>) target(%arg8 : memref<64x256xf32, #tpu.memory_space<vmem>>) offsets(%arg7 : memref<64xi32, #tpu.memory_space<vmem>>) semaphore(%arg13 : memref<!tpu.dma_semaphore, #tpu.memory_space<semaphore_mem>>)
    %dma_wait3A_32 = arith.constant 0 : i32
    %dma_wait3A_33 = tpu.memref_slice %arg2[%mul3A_2, %dma_wait3A_32] : memref<1024x256xf32, #tpu.memory_space<hbm>> -> memref<32x256xf32, #tpu.memory_space<hbm>>
    %dma_wait3A_34 = arith.constant 0 : i32
    %dma_wait3A_35 = tpu.memref_slice %arg2[%mul3A_2, %dma_wait3A_34] : memref<1024x256xf32, #tpu.memory_space<hbm>> -> memref<32x256xf32, #tpu.memory_space<hbm>>
    tpu.wait_dma2 semaphore(%arg11 : memref<!tpu.dma_semaphore, #tpu.memory_space<semaphore_mem>>) src(%dma_wait3A_35 : memref<32x256xf32, #tpu.memory_space<hbm>>) dst(%arg9 : memref<32x256xf32, #tpu.memory_space<vmem>>)
    %dma_wait3A_36 = arith.constant 0 : i32
    %dma_wait3A_37 = arith.constant 0 : i32
    %dma_wait3A_38 = tpu.memref_slice %arg3[%dma_wait3A_36, %dma_wait3A_37] : memref<1024x256xf32, #tpu.memory_space<hbm>> -> memref<1024x256xf32, #tpu.memory_space<hbm>>
    tpu.wait_indirect_dma semaphore(%arg13 : memref<!tpu.dma_semaphore, #tpu.memory_space<semaphore_mem>>) src(%dma_wait3A_38 : memref<1024x256xf32, #tpu.memory_space<hbm>>) dst(%arg8 : memref<64x256xf32, #tpu.memory_space<vmem>>)
    %iota3A = tpu.iota {dimensions = array<i32: 0>} : vector<16xi32>
    %broadcast_in_dim3A = arith.constant 0 : i32
    %broadcast_in_dim3A_39 = vector.broadcast %broadcast_in_dim3A : i32 to vector<16xi32>
    %scan3A = arith.constant 0 : i32
    %scan3A_40 = arith.constant 16 : i32
    %scan3A_41 = arith.addi %scan3A, %scan3A_40 : i32
    %scan3A_42 = arith.constant 1 : i32
    %scan3A_43:4 = scf.for %scan3A_78 = %scan3A to %scan3A_41 step %scan3A_42 iter_args(%scan3A_79 = %broadcast_in_dim3A_39, %scan3A_80 = %broadcast_in_dim3A_39, %scan3A_81 = %broadcast_in_dim3A_39, %scan3A_82 = %broadcast_in_dim3A_39) -> (vector<16xi32>, vector<16xi32>, vector<16xi32>, vector<16xi32>)  : i32 {
      %eq3A_83 = vector.broadcast %scan3A_78 : i32 to vector<16xi32>
      %eq3A_84 = arith.cmpi eq, %iota3A, %eq3A_83 : vector<16xi32>
      %add3A_85 = arith.constant 0 : i32
      %add3A_86 = arith.addi %add3A_85, %scan3A_78 : i32
      %broadcast_in_dim3A_87 = arith.constant 0.000000e+00 : f32
      %broadcast_in_dim3A_88 = vector.broadcast %broadcast_in_dim3A_87 : f32 to vector<16xf32>
      %scan3A_89 = arith.constant 0 : i32
      %scan3A_90 = arith.constant 4 : i32
      %scan3A_91 = arith.addi %scan3A_89, %scan3A_90 : i32
      %scan3A_92 = arith.constant 1 : i32
      %scan3A_93:2 = scf.for %scan3A_193 = %scan3A_89 to %scan3A_91 step %scan3A_92 iter_args(%scan3A_194 = %broadcast_in_dim3A_88, %scan3A_195 = %broadcast_in_dim3A_88) -> (vector<16xf32>, vector<16xf32>)  : i32 {
        %mul3A_196 = arith.constant 4 : i32
        %mul3A_197 = arith.muli %scan3A_193, %mul3A_196 : i32
        %add3A_198 = arith.constant 0 : i32
        %add3A_199 = arith.addi %mul3A_197, %add3A_198 : i32
        %mul3A_200 = arith.constant 16 : i32
        %mul3A_201 = arith.muli %add3A_199, %mul3A_200 : i32
        %get3A_202 = arith.index_cast %add3A_86 : i32 to index
        %get3A_203 = arith.index_cast %mul3A_201 : i32 to index
        %get3A_204 = tpu.vector_load %arg9[%get3A_202, %get3A_203] {strides = array<i32>} : memref<32x256xf32, #tpu.memory_space<vmem>>, vector<1x16xf32>,
        %get3A_205 = vector.shape_cast %get3A_204 : vector<1x16xf32> to vector<16xf32>
        %get3A_206 = arith.index_cast %add3A_86 : i32 to index
        %get3A_207 = arith.index_cast %mul3A_201 : i32 to index
        %get3A_208 = tpu.vector_load %arg8[%get3A_206, %get3A_207] {strides = array<i32>} : memref<64x256xf32, #tpu.memory_space<vmem>>, vector<1x16xf32>,
        %get3A_209 = vector.shape_cast %get3A_208 : vector<1x16xf32> to vector<16xf32>
        %add3A_210 = arith.constant 32 : i32
        %add3A_211 = arith.addi %add3A_86, %add3A_210 : i32
        %get3A_212 = arith.index_cast %add3A_211 : i32 to index
        %get3A_213 = arith.index_cast %mul3A_201 : i32 to index
        %get3A_214 = tpu.vector_load %arg8[%get3A_212, %get3A_213] {strides = array<i32>} : memref<64x256xf32, #tpu.memory_space<vmem>>, vector<1x16xf32>,
        %get3A_215 = vector.shape_cast %get3A_214 : vector<1x16xf32> to vector<16xf32>
        %sub3A_216 = arith.subf %get3A_205, %get3A_209 : vector<16xf32>
        %sub3A_217 = arith.subf %get3A_205, %get3A_215 : vector<16xf32>
        %mul3A_218 = arith.mulf %sub3A_216, %sub3A_216 : vector<16xf32>
        %add3A_219 = arith.addf %scan3A_194, %mul3A_218 : vector<16xf32>
        %mul3A_220 = arith.mulf %sub3A_217, %sub3A_217 : vector<16xf32>
        %add3A_221 = arith.addf %scan3A_195, %mul3A_220 : vector<16xf32>
        %mul3A_222 = arith.constant 4 : i32
        %mul3A_223 = arith.muli %scan3A_193, %mul3A_222 : i32
        %add3A_224 = arith.constant 1 : i32
        %add3A_225 = arith.addi %mul3A_223, %add3A_224 : i32
        %mul3A_226 = arith.constant 16 : i32
        %mul3A_227 = arith.muli %add3A_225, %mul3A_226 : i32
        %get3A_228 = arith.index_cast %add3A_86 : i32 to index
        %get3A_229 = arith.index_cast %mul3A_227 : i32 to index
        %get3A_230 = tpu.vector_load %arg9[%get3A_228, %get3A_229] {strides = array<i32>} : memref<32x256xf32, #tpu.memory_space<vmem>>, vector<1x16xf32>,
        %get3A_231 = vector.shape_cast %get3A_230 : vector<1x16xf32> to vector<16xf32>
        %get3A_232 = arith.index_cast %add3A_86 : i32 to index
        %get3A_233 = arith.index_cast %mul3A_227 : i32 to index
        %get3A_234 = tpu.vector_load %arg8[%get3A_232, %get3A_233] {strides = array<i32>} : memref<64x256xf32, #tpu.memory_space<vmem>>, vector<1x16xf32>,
        %get3A_235 = vector.shape_cast %get3A_234 : vector<1x16xf32> to vector<16xf32>
        %add3A_236 = arith.constant 32 : i32
        %add3A_237 = arith.addi %add3A_86, %add3A_236 : i32
        %get3A_238 = arith.index_cast %add3A_237 : i32 to index
        %get3A_239 = arith.index_cast %mul3A_227 : i32 to index
        %get3A_240 = tpu.vector_load %arg8[%get3A_238, %get3A_239] {strides = array<i32>} : memref<64x256xf32, #tpu.memory_space<vmem>>, vector<1x16xf32>,
        %get3A_241 = vector.shape_cast %get3A_240 : vector<1x16xf32> to vector<16xf32>
        %sub3A_242 = arith.subf %get3A_231, %get3A_235 : vector<16xf32>
        %sub3A_243 = arith.subf %get3A_231, %get3A_241 : vector<16xf32>
        %mul3A_244 = arith.mulf %sub3A_242, %sub3A_242 : vector<16xf32>
        %add3A_245 = arith.addf %add3A_219, %mul3A_244 : vector<16xf32>
        %mul3A_246 = arith.mulf %sub3A_243, %sub3A_243 : vector<16xf32>
        %add3A_247 = arith.addf %add3A_221, %mul3A_246 : vector<16xf32>
        %mul3A_248 = arith.constant 4 : i32
        %mul3A_249 = arith.muli %scan3A_193, %mul3A_248 : i32
        %add3A_250 = arith.constant 2 : i32
        %add3A_251 = arith.addi %mul3A_249, %add3A_250 : i32
        %mul3A_252 = arith.constant 16 : i32
        %mul3A_253 = arith.muli %add3A_251, %mul3A_252 : i32
        %get3A_254 = arith.index_cast %add3A_86 : i32 to index
        %get3A_255 = arith.index_cast %mul3A_253 : i32 to index
        %get3A_256 = tpu.vector_load %arg9[%get3A_254, %get3A_255] {strides = array<i32>} : memref<32x256xf32, #tpu.memory_space<vmem>>, vector<1x16xf32>,
        %get3A_257 = vector.shape_cast %get3A_256 : vector<1x16xf32> to vector<16xf32>
        %get3A_258 = arith.index_cast %add3A_86 : i32 to index
        %get3A_259 = arith.index_cast %mul3A_253 : i32 to index
        %get3A_260 = tpu.vector_load %arg8[%get3A_258, %get3A_259] {strides = array<i32>} : memref<64x256xf32, #tpu.memory_space<vmem>>, vector<1x16xf32>,
        %get3A_261 = vector.shape_cast %get3A_260 : vector<1x16xf32> to vector<16xf32>
        %add3A_262 = arith.constant 32 : i32
        %add3A_263 = arith.addi %add3A_86, %add3A_262 : i32
        %get3A_264 = arith.index_cast %add3A_263 : i32 to index
        %get3A_265 = arith.index_cast %mul3A_253 : i32 to index
        %get3A_266 = tpu.vector_load %arg8[%get3A_264, %get3A_265] {strides = array<i32>} : memref<64x256xf32, #tpu.memory_space<vmem>>, vector<1x16xf32>,
        %get3A_267 = vector.shape_cast %get3A_266 : vector<1x16xf32> to vector<16xf32>
        %sub3A_268 = arith.subf %get3A_257, %get3A_261 : vector<16xf32>
        %sub3A_269 = arith.subf %get3A_257, %get3A_267 : vector<16xf32>
        %mul3A_270 = arith.mulf %sub3A_268, %sub3A_268 : vector<16xf32>
        %add3A_271 = arith.addf %add3A_245, %mul3A_270 : vector<16xf32>
        %mul3A_272 = arith.mulf %sub3A_269, %sub3A_269 : vector<16xf32>
        %add3A_273 = arith.addf %add3A_247, %mul3A_272 : vector<16xf32>
        %mul3A_274 = arith.constant 4 : i32
        %mul3A_275 = arith.muli %scan3A_193, %mul3A_274 : i32
        %add3A_276 = arith.constant 3 : i32
        %add3A_277 = arith.addi %mul3A_275, %add3A_276 : i32
        %mul3A_278 = arith.constant 16 : i32
        %mul3A_279 = arith.muli %add3A_277, %mul3A_278 : i32
        %get3A_280 = arith.index_cast %add3A_86 : i32 to index
        %get3A_281 = arith.index_cast %mul3A_279 : i32 to index
        %get3A_282 = tpu.vector_load %arg9[%get3A_280, %get3A_281] {strides = array<i32>} : memref<32x256xf32, #tpu.memory_space<vmem>>, vector<1x16xf32>,
        %get3A_283 = vector.shape_cast %get3A_282 : vector<1x16xf32> to vector<16xf32>
        %get3A_284 = arith.index_cast %add3A_86 : i32 to index
        %get3A_285 = arith.index_cast %mul3A_279 : i32 to index
        %get3A_286 = tpu.vector_load %arg8[%get3A_284, %get3A_285] {strides = array<i32>} : memref<64x256xf32, #tpu.memory_space<vmem>>, vector<1x16xf32>,
        %get3A_287 = vector.shape_cast %get3A_286 : vector<1x16xf32> to vector<16xf32>
        %add3A_288 = arith.constant 32 : i32
        %add3A_289 = arith.addi %add3A_86, %add3A_288 : i32
        %get3A_290 = arith.index_cast %add3A_289 : i32 to index
        %get3A_291 = arith.index_cast %mul3A_279 : i32 to index
        %get3A_292 = tpu.vector_load %arg8[%get3A_290, %get3A_291] {strides = array<i32>} : memref<64x256xf32, #tpu.memory_space<vmem>>, vector<1x16xf32>,
        %get3A_293 = vector.shape_cast %get3A_292 : vector<1x16xf32> to vector<16xf32>
        %sub3A_294 = arith.subf %get3A_283, %get3A_287 : vector<16xf32>
        %sub3A_295 = arith.subf %get3A_283, %get3A_293 : vector<16xf32>
        %mul3A_296 = arith.mulf %sub3A_294, %sub3A_294 : vector<16xf32>
        %add3A_297 = arith.addf %add3A_271, %mul3A_296 : vector<16xf32>
        %mul3A_298 = arith.mulf %sub3A_295, %sub3A_295 : vector<16xf32>
        %add3A_299 = arith.addf %add3A_273, %mul3A_298 : vector<16xf32>
        scf.yield %add3A_297, %add3A_299 : vector<16xf32>, vector<16xf32>
      }
      %scan3A_94 = arith.constant 4 : i32
      %sub3A = arith.subf %scan3A_93#0, %scan3A_93#1 : vector<16xf32>
      %xor3A = arith.constant 8 : i32
      %xor3A_95 = vector.broadcast %xor3A : i32 to vector<16xi32>
      %xor3A_96 = arith.xori %iota3A, %xor3A_95 : vector<16xi32>
      %broadcast_in_dim3A_97 = vector.shape_cast %xor3A_96 : vector<16xi32> to vector<16x1xi32>
      %gather3A = vector.shape_cast %broadcast_in_dim3A_97 : vector<16x1xi32> to vector<16xi32>
      %gather3A_98 = tpu.dynamic_gather %sub3A[%gather3A] in [0] : vector<16xf32>, vector<16xi32> -> vector<16xf32>
      %add3A_99 = arith.addf %sub3A, %gather3A_98 : vector<16xf32>
      %xor3A_100 = arith.constant 4 : i32
      %xor3A_101 = vector.broadcast %xor3A_100 : i32 to vector<16xi32>
      %xor3A_102 = arith.xori %iota3A, %xor3A_101 : vector<16xi32>
      %broadcast_in_dim3A_103 = vector.shape_cast %xor3A_102 : vector<16xi32> to vector<16x1xi32>
      %gather3A_104 = vector.shape_cast %broadcast_in_dim3A_103 : vector<16x1xi32> to vector<16xi32>
      %gather3A_105 = tpu.dynamic_gather %add3A_99[%gather3A_104] in [0] : vector<16xf32>, vector<16xi32> -> vector<16xf32>
      %add3A_106 = arith.addf %add3A_99, %gather3A_105 : vector<16xf32>
      %xor3A_107 = arith.constant 2 : i32
      %xor3A_108 = vector.broadcast %xor3A_107 : i32 to vector<16xi32>
      %xor3A_109 = arith.xori %iota3A, %xor3A_108 : vector<16xi32>
      %broadcast_in_dim3A_110 = vector.shape_cast %xor3A_109 : vector<16xi32> to vector<16x1xi32>
      %gather3A_111 = vector.shape_cast %broadcast_in_dim3A_110 : vector<16x1xi32> to vector<16xi32>
      %gather3A_112 = tpu.dynamic_gather %add3A_106[%gather3A_111] in [0] : vector<16xf32>, vector<16xi32> -> vector<16xf32>
      %add3A_113 = arith.addf %add3A_106, %gather3A_112 : vector<16xf32>
      %xor3A_114 = arith.constant 1 : i32
      %xor3A_115 = vector.broadcast %xor3A_114 : i32 to vector<16xi32>
      %xor3A_116 = arith.xori %iota3A, %xor3A_115 : vector<16xi32>
      %broadcast_in_dim3A_117 = vector.shape_cast %xor3A_116 : vector<16xi32> to vector<16x1xi32>
      %gather3A_118 = vector.shape_cast %broadcast_in_dim3A_117 : vector<16x1xi32> to vector<16xi32>
      %gather3A_119 = tpu.dynamic_gather %add3A_113[%gather3A_118] in [0] : vector<16xf32>, vector<16xi32> -> vector<16xf32>
      %add3A_120 = arith.addf %add3A_113, %gather3A_119 : vector<16xf32>
      %lt3A = arith.constant 0.000000e+00 : f32
      %lt3A_121 = vector.broadcast %lt3A : f32 to vector<16xf32>
      %lt3A_122 = arith.cmpf olt, %add3A_120, %lt3A_121 : vector<16xf32>
      %jit3A = arith.constant 1 : i32
      %jit3A_123 = arith.constant 0 : i32
      %broadcast_in_dim3A_124 = vector.broadcast %jit3A : i32 to vector<16xi32>
      %broadcast_in_dim3A_125 = vector.broadcast %jit3A_123 : i32 to vector<16xi32>
      %select_n3A_126 = arith.select %lt3A_122, %broadcast_in_dim3A_124, %broadcast_in_dim3A_125 : vector<16xi1>, vector<16xi32>
      %select_n3A_127 = arith.select %eq3A_84, %select_n3A_126, %scan3A_79 : vector<16xi1>, vector<16xi32>
      %gt3A = arith.constant 0.000000e+00 : f32
      %gt3A_128 = vector.broadcast %gt3A : f32 to vector<16xf32>
      %gt3A_129 = arith.cmpf ogt, %add3A_120, %gt3A_128 : vector<16xf32>
      %jit3A_130 = arith.constant 1 : i32
      %jit3A_131 = arith.constant 0 : i32
      %broadcast_in_dim3A_132 = vector.broadcast %jit3A_130 : i32 to vector<16xi32>
      %broadcast_in_dim3A_133 = vector.broadcast %jit3A_131 : i32 to vector<16xi32>
      %select_n3A_134 = arith.select %gt3A_129, %broadcast_in_dim3A_132, %broadcast_in_dim3A_133 : vector<16xi1>, vector<16xi32>
      %select_n3A_135 = arith.select %eq3A_84, %select_n3A_134, %scan3A_80 : vector<16xi1>, vector<16xi32>
      %add3A_136 = arith.constant 16 : i32
      %add3A_137 = arith.addi %add3A_136, %scan3A_78 : i32
      %broadcast_in_dim3A_138 = arith.constant 0.000000e+00 : f32
      %broadcast_in_dim3A_139 = vector.broadcast %broadcast_in_dim3A_138 : f32 to vector<16xf32>
      %scan3A_140 = arith.constant 0 : i32
      %scan3A_141 = arith.constant 4 : i32
      %scan3A_142 = arith.addi %scan3A_140, %scan3A_141 : i32
      %scan3A_143 = arith.constant 1 : i32
      %scan3A_144:2 = scf.for %scan3A_193 = %scan3A_140 to %scan3A_142 step %scan3A_143 iter_args(%scan3A_194 = %broadcast_in_dim3A_139, %scan3A_195 = %broadcast_in_dim3A_139) -> (vector<16xf32>, vector<16xf32>)  : i32 {
        %mul3A_196 = arith.constant 4 : i32
        %mul3A_197 = arith.muli %scan3A_193, %mul3A_196 : i32
        %add3A_198 = arith.constant 0 : i32
        %add3A_199 = arith.addi %mul3A_197, %add3A_198 : i32
        %mul3A_200 = arith.constant 16 : i32
        %mul3A_201 = arith.muli %add3A_199, %mul3A_200 : i32
        %get3A_202 = arith.index_cast %add3A_137 : i32 to index
        %get3A_203 = arith.index_cast %mul3A_201 : i32 to index
        %get3A_204 = tpu.vector_load %arg9[%get3A_202, %get3A_203] {strides = array<i32>} : memref<32x256xf32, #tpu.memory_space<vmem>>, vector<1x16xf32>,
        %get3A_205 = vector.shape_cast %get3A_204 : vector<1x16xf32> to vector<16xf32>
        %get3A_206 = arith.index_cast %add3A_137 : i32 to index
        %get3A_207 = arith.index_cast %mul3A_201 : i32 to index
        %get3A_208 = tpu.vector_load %arg8[%get3A_206, %get3A_207] {strides = array<i32>} : memref<64x256xf32, #tpu.memory_space<vmem>>, vector<1x16xf32>,
        %get3A_209 = vector.shape_cast %get3A_208 : vector<1x16xf32> to vector<16xf32>
        %add3A_210 = arith.constant 32 : i32
        %add3A_211 = arith.addi %add3A_137, %add3A_210 : i32
        %get3A_212 = arith.index_cast %add3A_211 : i32 to index
        %get3A_213 = arith.index_cast %mul3A_201 : i32 to index
        %get3A_214 = tpu.vector_load %arg8[%get3A_212, %get3A_213] {strides = array<i32>} : memref<64x256xf32, #tpu.memory_space<vmem>>, vector<1x16xf32>,
        %get3A_215 = vector.shape_cast %get3A_214 : vector<1x16xf32> to vector<16xf32>
        %sub3A_216 = arith.subf %get3A_205, %get3A_209 : vector<16xf32>
        %sub3A_217 = arith.subf %get3A_205, %get3A_215 : vector<16xf32>
        %mul3A_218 = arith.mulf %sub3A_216, %sub3A_216 : vector<16xf32>
        %add3A_219 = arith.addf %scan3A_194, %mul3A_218 : vector<16xf32>
        %mul3A_220 = arith.mulf %sub3A_217, %sub3A_217 : vector<16xf32>
        %add3A_221 = arith.addf %scan3A_195, %mul3A_220 : vector<16xf32>
        %mul3A_222 = arith.constant 4 : i32
        %mul3A_223 = arith.muli %scan3A_193, %mul3A_222 : i32
        %add3A_224 = arith.constant 1 : i32
        %add3A_225 = arith.addi %mul3A_223, %add3A_224 : i32
        %mul3A_226 = arith.constant 16 : i32
        %mul3A_227 = arith.muli %add3A_225, %mul3A_226 : i32
        %get3A_228 = arith.index_cast %add3A_137 : i32 to index
        %get3A_229 = arith.index_cast %mul3A_227 : i32 to index
        %get3A_230 = tpu.vector_load %arg9[%get3A_228, %get3A_229] {strides = array<i32>} : memref<32x256xf32, #tpu.memory_space<vmem>>, vector<1x16xf32>,
        %get3A_231 = vector.shape_cast %get3A_230 : vector<1x16xf32> to vector<16xf32>
        %get3A_232 = arith.index_cast %add3A_137 : i32 to index
        %get3A_233 = arith.index_cast %mul3A_227 : i32 to index
        %get3A_234 = tpu.vector_load %arg8[%get3A_232, %get3A_233] {strides = array<i32>} : memref<64x256xf32, #tpu.memory_space<vmem>>, vector<1x16xf32>,
        %get3A_235 = vector.shape_cast %get3A_234 : vector<1x16xf32> to vector<16xf32>
        %add3A_236 = arith.constant 32 : i32
        %add3A_237 = arith.addi %add3A_137, %add3A_236 : i32
        %get3A_238 = arith.index_cast %add3A_237 : i32 to index
        %get3A_239 = arith.index_cast %mul3A_227 : i32 to index
        %get3A_240 = tpu.vector_load %arg8[%get3A_238, %get3A_239] {strides = array<i32>} : memref<64x256xf32, #tpu.memory_space<vmem>>, vector<1x16xf32>,
        %get3A_241 = vector.shape_cast %get3A_240 : vector<1x16xf32> to vector<16xf32>
        %sub3A_242 = arith.subf %get3A_231, %get3A_235 : vector<16xf32>
        %sub3A_243 = arith.subf %get3A_231, %get3A_241 : vector<16xf32>
        %mul3A_244 = arith.mulf %sub3A_242, %sub3A_242 : vector<16xf32>
        %add3A_245 = arith.addf %add3A_219, %mul3A_244 : vector<16xf32>
        %mul3A_246 = arith.mulf %sub3A_243, %sub3A_243 : vector<16xf32>
        %add3A_247 = arith.addf %add3A_221, %mul3A_246 : vector<16xf32>
        %mul3A_248 = arith.constant 4 : i32
        %mul3A_249 = arith.muli %scan3A_193, %mul3A_248 : i32
        %add3A_250 = arith.constant 2 : i32
        %add3A_251 = arith.addi %mul3A_249, %add3A_250 : i32
        %mul3A_252 = arith.constant 16 : i32
        %mul3A_253 = arith.muli %add3A_251, %mul3A_252 : i32
        %get3A_254 = arith.index_cast %add3A_137 : i32 to index
        %get3A_255 = arith.index_cast %mul3A_253 : i32 to index
        %get3A_256 = tpu.vector_load %arg9[%get3A_254, %get3A_255] {strides = array<i32>} : memref<32x256xf32, #tpu.memory_space<vmem>>, vector<1x16xf32>,
        %get3A_257 = vector.shape_cast %get3A_256 : vector<1x16xf32> to vector<16xf32>
        %get3A_258 = arith.index_cast %add3A_137 : i32 to index
        %get3A_259 = arith.index_cast %mul3A_253 : i32 to index
        %get3A_260 = tpu.vector_load %arg8[%get3A_258, %get3A_259] {strides = array<i32>} : memref<64x256xf32, #tpu.memory_space<vmem>>, vector<1x16xf32>,
        %get3A_261 = vector.shape_cast %get3A_260 : vector<1x16xf32> to vector<16xf32>
        %add3A_262 = arith.constant 32 : i32
        %add3A_263 = arith.addi %add3A_137, %add3A_262 : i32
        %get3A_264 = arith.index_cast %add3A_263 : i32 to index
        %get3A_265 = arith.index_cast %mul3A_253 : i32 to index
        %get3A_266 = tpu.vector_load %arg8[%get3A_264, %get3A_265] {strides = array<i32>} : memref<64x256xf32, #tpu.memory_space<vmem>>, vector<1x16xf32>,
        %get3A_267 = vector.shape_cast %get3A_266 : vector<1x16xf32> to vector<16xf32>
        %sub3A_268 = arith.subf %get3A_257, %get3A_261 : vector<16xf32>
        %sub3A_269 = arith.subf %get3A_257, %get3A_267 : vector<16xf32>
        %mul3A_270 = arith.mulf %sub3A_268, %sub3A_268 : vector<16xf32>
        %add3A_271 = arith.addf %add3A_245, %mul3A_270 : vector<16xf32>
        %mul3A_272 = arith.mulf %sub3A_269, %sub3A_269 : vector<16xf32>
        %add3A_273 = arith.addf %add3A_247, %mul3A_272 : vector<16xf32>
        %mul3A_274 = arith.constant 4 : i32
        %mul3A_275 = arith.muli %scan3A_193, %mul3A_274 : i32
        %add3A_276 = arith.constant 3 : i32
        %add3A_277 = arith.addi %mul3A_275, %add3A_276 : i32
        %mul3A_278 = arith.constant 16 : i32
        %mul3A_279 = arith.muli %add3A_277, %mul3A_278 : i32
        %get3A_280 = arith.index_cast %add3A_137 : i32 to index
        %get3A_281 = arith.index_cast %mul3A_279 : i32 to index
        %get3A_282 = tpu.vector_load %arg9[%get3A_280, %get3A_281] {strides = array<i32>} : memref<32x256xf32, #tpu.memory_space<vmem>>, vector<1x16xf32>,
        %get3A_283 = vector.shape_cast %get3A_282 : vector<1x16xf32> to vector<16xf32>
        %get3A_284 = arith.index_cast %add3A_137 : i32 to index
        %get3A_285 = arith.index_cast %mul3A_279 : i32 to index
        %get3A_286 = tpu.vector_load %arg8[%get3A_284, %get3A_285] {strides = array<i32>} : memref<64x256xf32, #tpu.memory_space<vmem>>, vector<1x16xf32>,
        %get3A_287 = vector.shape_cast %get3A_286 : vector<1x16xf32> to vector<16xf32>
        %add3A_288 = arith.constant 32 : i32
        %add3A_289 = arith.addi %add3A_137, %add3A_288 : i32
        %get3A_290 = arith.index_cast %add3A_289 : i32 to index
        %get3A_291 = arith.index_cast %mul3A_279 : i32 to index
        %get3A_292 = tpu.vector_load %arg8[%get3A_290, %get3A_291] {strides = array<i32>} : memref<64x256xf32, #tpu.memory_space<vmem>>, vector<1x16xf32>,
        %get3A_293 = vector.shape_cast %get3A_292 : vector<1x16xf32> to vector<16xf32>
        %sub3A_294 = arith.subf %get3A_283, %get3A_287 : vector<16xf32>
        %sub3A_295 = arith.subf %get3A_283, %get3A_293 : vector<16xf32>
        %mul3A_296 = arith.mulf %sub3A_294, %sub3A_294 : vector<16xf32>
        %add3A_297 = arith.addf %add3A_271, %mul3A_296 : vector<16xf32>
        %mul3A_298 = arith.mulf %sub3A_295, %sub3A_295 : vector<16xf32>
        %add3A_299 = arith.addf %add3A_273, %mul3A_298 : vector<16xf32>
        scf.yield %add3A_297, %add3A_299 : vector<16xf32>, vector<16xf32>
      }
      %scan3A_145 = arith.constant 4 : i32
      %sub3A_146 = arith.subf %scan3A_144#0, %scan3A_144#1 : vector<16xf32>
      %xor3A_147 = arith.constant 8 : i32
      %xor3A_148 = vector.broadcast %xor3A_147 : i32 to vector<16xi32>
      %xor3A_149 = arith.xori %iota3A, %xor3A_148 : vector<16xi32>
      %broadcast_in_dim3A_150 = vector.shape_cast %xor3A_149 : vector<16xi32> to vector<16x1xi32>
      %gather3A_151 = vector.shape_cast %broadcast_in_dim3A_150 : vector<16x1xi32> to vector<16xi32>
      %gather3A_152 = tpu.dynamic_gather %sub3A_146[%gather3A_151] in [0] : vector<16xf32>, vector<16xi32> -> vector<16xf32>
      %add3A_153 = arith.addf %sub3A_146, %gather3A_152 : vector<16xf32>
      %xor3A_154 = arith.constant 4 : i32
      %xor3A_155 = vector.broadcast %xor3A_154 : i32 to vector<16xi32>
      %xor3A_156 = arith.xori %iota3A, %xor3A_155 : vector<16xi32>
      %broadcast_in_dim3A_157 = vector.shape_cast %xor3A_156 : vector<16xi32> to vector<16x1xi32>
      %gather3A_158 = vector.shape_cast %broadcast_in_dim3A_157 : vector<16x1xi32> to vector<16xi32>
      %gather3A_159 = tpu.dynamic_gather %add3A_153[%gather3A_158] in [0] : vector<16xf32>, vector<16xi32> -> vector<16xf32>
      %add3A_160 = arith.addf %add3A_153, %gather3A_159 : vector<16xf32>
      %xor3A_161 = arith.constant 2 : i32
      %xor3A_162 = vector.broadcast %xor3A_161 : i32 to vector<16xi32>
      %xor3A_163 = arith.xori %iota3A, %xor3A_162 : vector<16xi32>
      %broadcast_in_dim3A_164 = vector.shape_cast %xor3A_163 : vector<16xi32> to vector<16x1xi32>
      %gather3A_165 = vector.shape_cast %broadcast_in_dim3A_164 : vector<16x1xi32> to vector<16xi32>
      %gather3A_166 = tpu.dynamic_gather %add3A_160[%gather3A_165] in [0] : vector<16xf32>, vector<16xi32> -> vector<16xf32>
      %add3A_167 = arith.addf %add3A_160, %gather3A_166 : vector<16xf32>
      %xor3A_168 = arith.constant 1 : i32
      %xor3A_169 = vector.broadcast %xor3A_168 : i32 to vector<16xi32>
      %xor3A_170 = arith.xori %iota3A, %xor3A_169 : vector<16xi32>
      %broadcast_in_dim3A_171 = vector.shape_cast %xor3A_170 : vector<16xi32> to vector<16x1xi32>
      %gather3A_172 = vector.shape_cast %broadcast_in_dim3A_171 : vector<16x1xi32> to vector<16xi32>
      %gather3A_173 = tpu.dynamic_gather %add3A_167[%gather3A_172] in [0] : vector<16xf32>, vector<16xi32> -> vector<16xf32>
      %add3A_174 = arith.addf %add3A_167, %gather3A_173 : vector<16xf32>
      %lt3A_175 = arith.constant 0.000000e+00 : f32
      %lt3A_176 = vector.broadcast %lt3A_175 : f32 to vector<16xf32>
      %lt3A_177 = arith.cmpf olt, %add3A_174, %lt3A_176 : vector<16xf32>
      %jit3A_178 = arith.constant 1 : i32
      %jit3A_179 = arith.constant 0 : i32
      %broadcast_in_dim3A_180 = vector.broadcast %jit3A_178 : i32 to vector<16xi32>
      %broadcast_in_dim3A_181 = vector.broadcast %jit3A_179 : i32 to vector<16xi32>
      %select_n3A_182 = arith.select %lt3A_177, %broadcast_in_dim3A_180, %broadcast_in_dim3A_181 : vector<16xi1>, vector<16xi32>
      %select_n3A_183 = arith.select %eq3A_84, %select_n3A_182, %scan3A_81 : vector<16xi1>, vector<16xi32>
      %gt3A_184 = arith.constant 0.000000e+00 : f32
      %gt3A_185 = vector.broadcast %gt3A_184 : f32 to vector<16xf32>
      %gt3A_186 = arith.cmpf ogt, %add3A_174, %gt3A_185 : vector<16xf32>
      %jit3A_187 = arith.constant 1 : i32
      %jit3A_188 = arith.constant 0 : i32
      %broadcast_in_dim3A_189 = vector.broadcast %jit3A_187 : i32 to vector<16xi32>
      %broadcast_in_dim3A_190 = vector.broadcast %jit3A_188 : i32 to vector<16xi32>
      %select_n3A_191 = arith.select %gt3A_186, %broadcast_in_dim3A_189, %broadcast_in_dim3A_190 : vector<16xi1>, vector<16xi32>
      %select_n3A_192 = arith.select %eq3A_84, %select_n3A_191, %scan3A_82 : vector<16xi1>, vector<16xi32>
      scf.yield %select_n3A_127, %select_n3A_135, %select_n3A_183, %select_n3A_192 : vector<16xi32>, vector<16xi32>, vector<16xi32>, vector<16xi32>
    }
    %scan3A_44 = arith.constant 16 : i32
    %get3A = arith.constant 0 : index
    %get3A_45 = tpu.vector_load %arg7[%get3A] {strides = array<i32>} : memref<64xi32, #tpu.memory_space<vmem>>, vector<16xi32>,
    %get3A_46 = vector.shape_cast %get3A_45 : vector<16xi32> to vector<16xi32>
    %get3A_47 = arith.constant 32 : index
    %get3A_48 = tpu.vector_load %arg7[%get3A_47] {strides = array<i32>} : memref<64xi32, #tpu.memory_space<vmem>>, vector<16xi32>,
    %get3A_49 = vector.shape_cast %get3A_48 : vector<16xi32> to vector<16xi32>
    %eq3A = arith.constant 1 : i32
    %eq3A_50 = vector.broadcast %eq3A : i32 to vector<16xi32>
    %eq3A_51 = arith.cmpi eq, %scan3A_43#0, %eq3A_50 : vector<16xi32>
    %eq3A_52 = arith.constant 1 : i32
    %eq3A_53 = vector.broadcast %eq3A_52 : i32 to vector<16xi32>
    %eq3A_54 = arith.cmpi eq, %scan3A_43#1, %eq3A_53 : vector<16xi32>
    %min3A = arith.minsi %get3A_46, %get3A_49 : vector<16xi32>
    %select_n3A = arith.select %eq3A_54, %get3A_49, %min3A : vector<16xi1>, vector<16xi32>
    %select_n3A_55 = arith.select %eq3A_51, %get3A_46, %select_n3A : vector<16xi1>, vector<16xi32>
    %swap3A = arith.constant 0 : index
    %swap3A_56 = tpu.vector_load %arg10[%swap3A] {strides = array<i32>} : memref<32xi32, #tpu.memory_space<vmem>>, vector<16xi32>,
    %swap3A_57 = vector.shape_cast %swap3A_56 : vector<16xi32> to vector<16xi32>
    %swap3A_58 = vector.shape_cast %select_n3A_55 : vector<16xi32> to vector<16xi32>
    tpu.vector_store %arg10[%swap3A], %swap3A_58 {strides = array<i32>} : memref<32xi32, #tpu.memory_space<vmem>>, vector<16xi32>,
    %get3A_59 = arith.constant 16 : index
    %get3A_60 = tpu.vector_load %arg7[%get3A_59] {strides = array<i32>} : memref<64xi32, #tpu.memory_space<vmem>>, vector<16xi32>,
    %get3A_61 = vector.shape_cast %get3A_60 : vector<16xi32> to vector<16xi32>
    %get3A_62 = arith.constant 48 : index
    %get3A_63 = tpu.vector_load %arg7[%get3A_62] {strides = array<i32>} : memref<64xi32, #tpu.memory_space<vmem>>, vector<16xi32>,
    %get3A_64 = vector.shape_cast %get3A_63 : vector<16xi32> to vector<16xi32>
    %eq3A_65 = arith.constant 1 : i32
    %eq3A_66 = vector.broadcast %eq3A_65 : i32 to vector<16xi32>
    %eq3A_67 = arith.cmpi eq, %scan3A_43#2, %eq3A_66 : vector<16xi32>
    %eq3A_68 = arith.constant 1 : i32
    %eq3A_69 = vector.broadcast %eq3A_68 : i32 to vector<16xi32>
    %eq3A_70 = arith.cmpi eq, %scan3A_43#3, %eq3A_69 : vector<16xi32>
    %min3A_71 = arith.minsi %get3A_61, %get3A_64 : vector<16xi32>
    %select_n3A_72 = arith.select %eq3A_70, %get3A_64, %min3A_71 : vector<16xi1>, vector<16xi32>
    %select_n3A_73 = arith.select %eq3A_67, %get3A_61, %select_n3A_72 : vector<16xi1>, vector<16xi32>
    %swap3A_74 = arith.constant 16 : index
    %swap3A_75 = tpu.vector_load %arg10[%swap3A_74] {strides = array<i32>} : memref<32xi32, #tpu.memory_space<vmem>>, vector<16xi32>,
    %swap3A_76 = vector.shape_cast %swap3A_75 : vector<16xi32> to vector<16xi32>
    %swap3A_77 = vector.shape_cast %select_n3A_73 : vector<16xi32> to vector<16xi32>
    tpu.vector_store %arg10[%swap3A_74], %swap3A_77 {strides = array<i32>} : memref<32xi32, #tpu.memory_space<vmem>>, vector<16xi32>,
    "tpu.region"() ({
      %run_scoped3A = tpu.sem_alloc : memref<!tpu.dma_semaphore, #tpu.memory_space<semaphore_mem>>
      %dma_start3A_78 = tpu.memref_slice %arg6[%mul3A_2] : memref<1024xi32, #tpu.memory_space<hbm>> -> memref<32xi32, #tpu.memory_space<hbm>>
      %dma_start3A_79 = tpu.memref_slice %arg6[%mul3A_2] : memref<1024xi32, #tpu.memory_space<hbm>> -> memref<32xi32, #tpu.memory_space<hbm>>
      tpu.enqueue_dma source(%arg10 : memref<32xi32, #tpu.memory_space<vmem>>) target(%dma_start3A_79 : memref<32xi32, #tpu.memory_space<hbm>>) target_semaphore(%run_scoped3A : memref<!tpu.dma_semaphore, #tpu.memory_space<semaphore_mem>>)
      %dma_wait3A_80 = tpu.memref_slice %arg6[%mul3A_2] : memref<1024xi32, #tpu.memory_space<hbm>> -> memref<32xi32, #tpu.memory_space<hbm>>
      %dma_wait3A_81 = tpu.memref_slice %arg6[%mul3A_2] : memref<1024xi32, #tpu.memory_space<hbm>> -> memref<32xi32, #tpu.memory_space<hbm>>
      tpu.wait_dma2 semaphore(%run_scoped3A : memref<!tpu.dma_semaphore, #tpu.memory_space<semaphore_mem>>) src(%arg10 : memref<32xi32, #tpu.memory_space<vmem>>) dst(%dma_wait3A_81 : memref<32xi32, #tpu.memory_space<hbm>>)
      tpu.yield
    }) : () -> ()
    return
  }
}

module attributes {stable_mosaic.version = 14 : i64} {
  func.func @_tc_ema(%arg0: memref<1024x256xf32, #tpu.memory_space<vmem>>, %arg1: memref<1024xi32, #tpu.memory_space<vmem>>, %arg2: memref<1024xf32, #tpu.memory_space<vmem>>, %arg3: memref<256x1024xf32, #tpu.memory_space<vmem>>, %arg4: memref<256x1024xf32, #tpu.memory_space<vmem>>, %arg5: memref<1024xf32, #tpu.memory_space<vmem>>, %arg6: memref<256x1024xf32, #tpu.memory_space<vmem>>) attributes {dimension_semantics = [], scalar_prefetch = 0 : i64, scratch_operands = 0 : i64, tpu.core_type = #tpu.core_type<tc>} {
    %get3A = arith.constant 0 : index
    %get3A_0 = arith.constant 0 : index
    %get3A_1 = vector.load %arg0[%get3A, %get3A_0] : memref<1024x256xf32, #tpu.memory_space<vmem>>, vector<1024x256xf32>
    %get3A_2 = arith.constant 0 : index
    %get3A_3 = vector.load %arg1[%get3A_2] : memref<1024xi32, #tpu.memory_space<vmem>>, vector<1024xi32>
    %iota3A = tpu.iota {dimensions = array<i32: 1>} : vector<1024x1024xi32>
    %broadcast_in_dim3A = vector.shape_cast %get3A_3 : vector<1024xi32> to vector<1024x1xi32>
    %eq3A = vector.broadcast %broadcast_in_dim3A : vector<1024x1xi32> to vector<1024x1024xi32>
    %eq3A_4 = arith.cmpi eq, %iota3A, %eq3A : vector<1024x1024xi32>
    %convert_element_type3A = arith.extui %eq3A_4 : vector<1024x1024xi1> to vector<1024x1024xi32>
    %convert_element_type3A_5 = arith.sitofp %convert_element_type3A : vector<1024x1024xi32> to vector<1024x1024xf32>
    %reduce_sum3A = arith.constant dense<0.000000e+00> : vector<1024xf32>
    %reduce_sum3A_6 = vector.multi_reduction <add>, %convert_element_type3A_5, %reduce_sum3A [0] : vector<1024x1024xf32> to vector<1024xf32>
    %dot_general3A = arith.constant dense<0.000000e+00> : vector<256x1024xf32>
    %dot_general3A_7 = tpu.matmul %get3A_1, %convert_element_type3A_5, %dot_general3A {dimension_numbers = #tpu.dot_dimension_numbers<[0], [0], [1], [1], [0, 1, 1, 1], [], []>, transpose_lhs_hint = false} : vector<1024x256xf32>, vector<1024x1024xf32>, vector<256x1024xf32> -> vector<256x1024xf32>
    %eq3A_8 = arith.constant 0.000000e+00 : f32
    %eq3A_9 = vector.broadcast %eq3A_8 : f32 to vector<1024xf32>
    %eq3A_10 = arith.cmpf oeq, %reduce_sum3A_6, %eq3A_9 : vector<1024xf32>
    %jit3A = arith.constant 1.000000e+00 : f32
    %broadcast_in_dim3A_11 = vector.broadcast %jit3A : f32 to vector<1024xf32>
    %select_n3A = arith.select %eq3A_10, %broadcast_in_dim3A_11, %reduce_sum3A_6 : vector<1024xi1>, vector<1024xf32>
    %get3A_12 = arith.constant 0 : index
    %get3A_13 = vector.load %arg2[%get3A_12] : memref<1024xf32, #tpu.memory_space<vmem>>, vector<1024xf32>
    %mul3A = arith.constant 9.900000e-01 : f32
    %mul3A_14 = vector.broadcast %mul3A : f32 to vector<1024xf32>
    %mul3A_15 = arith.mulf %get3A_13, %mul3A_14 : vector<1024xf32>
    %mul3A_16 = arith.constant 0.00999999977 : f32
    %mul3A_17 = vector.broadcast %mul3A_16 : f32 to vector<1024xf32>
    %mul3A_18 = arith.mulf %mul3A_17, %select_n3A : vector<1024xf32>
    %add3A = arith.addf %mul3A_15, %mul3A_18 : vector<1024xf32>
    %get3A_19 = arith.constant 0 : index
    %get3A_20 = arith.constant 0 : index
    %get3A_21 = vector.load %arg3[%get3A_19, %get3A_20] : memref<256x1024xf32, #tpu.memory_space<vmem>>, vector<256x1024xf32>
    %mul3A_22 = arith.constant 9.900000e-01 : f32
    %mul3A_23 = vector.broadcast %mul3A_22 : f32 to vector<256x1024xf32>
    %mul3A_24 = arith.mulf %get3A_21, %mul3A_23 : vector<256x1024xf32>
    %mul3A_25 = arith.constant 0.00999999977 : f32
    %mul3A_26 = vector.broadcast %mul3A_25 : f32 to vector<256x1024xf32>
    %mul3A_27 = arith.mulf %mul3A_26, %dot_general3A_7 : vector<256x1024xf32>
    %add3A_28 = arith.addf %mul3A_24, %mul3A_27 : vector<256x1024xf32>
    %reduce_sum3A_29 = vector.shape_cast %add3A : vector<1024xf32> to vector<1x1024xf32>
    %reduce_sum3A_30 = arith.constant dense<0.000000e+00> : vector<1xf32>
    %reduce_sum3A_31 = vector.multi_reduction <add>, %reduce_sum3A_29, %reduce_sum3A_30 [1] : vector<1x1024xf32> to vector<1xf32>
    %reduce_sum3A_32 = vector.shape_cast %reduce_sum3A_31 : vector<1xf32> to vector<1x1xf32>
    %reduce_sum3A_33 = vector.extract %reduce_sum3A_32[0, 0] : f32 from vector<1x1xf32>
    %add3A_34 = arith.constant 9.99999974E-6 : f32
    %add3A_35 = vector.broadcast %add3A_34 : f32 to vector<1024xf32>
    %add3A_36 = arith.addf %add3A, %add3A_35 : vector<1024xf32>
    %add3A_37 = arith.constant 1.024000e-02 : f32
    %add3A_38 = arith.addf %reduce_sum3A_33, %add3A_37 : f32
    %div3A = vector.broadcast %add3A_38 : f32 to vector<1024xf32>
    %div3A_39 = arith.divf %add3A_36, %div3A : vector<1024xf32>
    %mul3A_40 = vector.broadcast %reduce_sum3A_33 : f32 to vector<1024xf32>
    %mul3A_41 = arith.mulf %div3A_39, %mul3A_40 : vector<1024xf32>
    %broadcast_in_dim3A_42 = vector.shape_cast %mul3A_41 : vector<1024xf32> to vector<1x1024xf32>
    %div3A_43 = vector.broadcast %broadcast_in_dim3A_42 : vector<1x1024xf32> to vector<256x1024xf32>
    %div3A_44 = arith.divf %add3A_28, %div3A_43 : vector<256x1024xf32>
    %swap3A = arith.constant 0 : index
    %swap3A_45 = arith.constant 0 : index
    %swap3A_46 = vector.load %arg4[%swap3A, %swap3A_45] : memref<256x1024xf32, #tpu.memory_space<vmem>>, vector<256x1024xf32>
    tpu.vector_store %arg4[%swap3A, %swap3A_45], %div3A_44 {strides = array<i32>} : memref<256x1024xf32, #tpu.memory_space<vmem>>, vector<256x1024xf32>,
    %swap3A_47 = arith.constant 0 : index
    %swap3A_48 = vector.load %arg5[%swap3A_47] : memref<1024xf32, #tpu.memory_space<vmem>>, vector<1024xf32>
    tpu.vector_store %arg5[%swap3A_47], %add3A {strides = array<i32>} : memref<1024xf32, #tpu.memory_space<vmem>>, vector<1024xf32>,
    %swap3A_49 = arith.constant 0 : index
    %swap3A_50 = arith.constant 0 : index
    %swap3A_51 = vector.load %arg6[%swap3A_49, %swap3A_50] : memref<256x1024xf32, #tpu.memory_space<vmem>>, vector<256x1024xf32>
    tpu.vector_store %arg6[%swap3A_49, %swap3A_50], %add3A_28 {strides = array<i32>} : memref<256x1024xf32, #tpu.memory_space<vmem>>, vector<256x1024xf32>,
    return
  }
}

module attributes {stable_mosaic.version = 14 : i64} {
  func.func @_tc_top2(%arg0: memref<1024x256xf32, #tpu.memory_space<vmem>>, %arg1: memref<256x1024xf32, #tpu.memory_space<vmem>>, %arg2: memref<1024xi32, #tpu.memory_space<vmem>>, %arg3: memref<1024xi32, #tpu.memory_space<vmem>>, %arg4: memref<1024x256xf32, #tpu.memory_space<vmem>>) attributes {dimension_semantics = [], scalar_prefetch = 0 : i64, scratch_operands = 0 : i64, tpu.core_type = #tpu.core_type<tc>} {
    %get3A = arith.constant 0 : index
    %get3A_0 = arith.constant 0 : index
    %get3A_1 = vector.load %arg0[%get3A, %get3A_0] : memref<1024x256xf32, #tpu.memory_space<vmem>>, vector<1024x256xf32>
    %get3A_2 = arith.constant 0 : index
    %get3A_3 = arith.constant 0 : index
    %get3A_4 = vector.load %arg1[%get3A_2, %get3A_3] : memref<256x1024xf32, #tpu.memory_space<vmem>>, vector<256x1024xf32>
    %transpose3A = tpu.transpose %get3A_4, [1, 0] : vector<256x1024xf32> -> vector<1024x256xf32>
    %swap3A = arith.constant 0 : index
    %swap3A_5 = arith.constant 0 : index
    %swap3A_6 = vector.load %arg4[%swap3A, %swap3A_5] : memref<1024x256xf32, #tpu.memory_space<vmem>>, vector<1024x256xf32>
    tpu.vector_store %arg4[%swap3A, %swap3A_5], %transpose3A {strides = array<i32>} : memref<1024x256xf32, #tpu.memory_space<vmem>>, vector<1024x256xf32>,
    %mul3A = arith.mulf %get3A_4, %get3A_4 : vector<256x1024xf32>
    %reduce_sum3A = arith.constant dense<0.000000e+00> : vector<1024xf32>
    %reduce_sum3A_7 = vector.multi_reduction <add>, %mul3A, %reduce_sum3A [0] : vector<256x1024xf32> to vector<1024xf32>
    %broadcast_in_dim3A = vector.shape_cast %reduce_sum3A_7 : vector<1024xf32> to vector<1x1024xf32>
    %dot_general3A = arith.constant dense<0.000000e+00> : vector<1024x1024xf32>
    %dot_general3A_8 = tpu.matmul %get3A_1, %get3A_4, %dot_general3A {dimension_numbers = #tpu.dot_dimension_numbers<[1], [0], [0], [1], [0, 0, 1, 1], [], []>, precision = #tpu.contract_precision<fp32>, transpose_lhs_hint = false} : vector<1024x256xf32>, vector<256x1024xf32>, vector<1024x1024xf32> -> vector<1024x1024xf32>
    %mul3A_9 = arith.constant 2.000000e+00 : f32
    %mul3A_10 = vector.broadcast %mul3A_9 : f32 to vector<1024x1024xf32>
    %mul3A_11 = arith.mulf %mul3A_10, %dot_general3A_8 : vector<1024x1024xf32>
    %sub3A = vector.broadcast %broadcast_in_dim3A : vector<1x1024xf32> to vector<1024x1024xf32>
    %sub3A_12 = arith.subf %sub3A, %mul3A_11 : vector<1024x1024xf32>
    %iota3A = tpu.iota {dimensions = array<i32: 1>} : vector<1024x1024xi32>
    %argmin3A = tpu.reduce_index %sub3A_12 {axis = 1 : i32, kind = #tpu.reduction_kind<arg_min>} : vector<1024x1024xf32> -> vector<1024xi32>
    %broadcast_in_dim3A_13 = vector.shape_cast %argmin3A : vector<1024xi32> to vector<1024x1xi32>
    %eq3A = vector.broadcast %broadcast_in_dim3A_13 : vector<1024x1xi32> to vector<1024x1024xi32>
    %eq3A_14 = arith.cmpi eq, %iota3A, %eq3A : vector<1024x1024xi32>
    %jit3A = arith.constant 0x7F800000 : f32
    %broadcast_in_dim3A_15 = vector.broadcast %jit3A : f32 to vector<1024x1024xf32>
    %select_n3A = arith.select %eq3A_14, %broadcast_in_dim3A_15, %sub3A_12 : vector<1024x1024xi1>, vector<1024x1024xf32>
    %argmin3A_16 = tpu.reduce_index %select_n3A {axis = 1 : i32, kind = #tpu.reduction_kind<arg_min>} : vector<1024x1024xf32> -> vector<1024xi32>
    %swap3A_17 = arith.constant 0 : index
    %swap3A_18 = vector.load %arg2[%swap3A_17] : memref<1024xi32, #tpu.memory_space<vmem>>, vector<1024xi32>
    tpu.vector_store %arg2[%swap3A_17], %argmin3A {strides = array<i32>} : memref<1024xi32, #tpu.memory_space<vmem>>, vector<1024xi32>,
    %swap3A_19 = arith.constant 0 : index
    %swap3A_20 = vector.load %arg3[%swap3A_19] : memref<1024xi32, #tpu.memory_space<vmem>>, vector<1024xi32>
    tpu.vector_store %arg3[%swap3A_19], %argmin3A_16 {strides = array<i32>} : memref<1024xi32, #tpu.memory_space<vmem>>, vector<1024xi32>,
    return
  }
}

</mosaic_0001>

<sc_bundles>
// kernel: kernel.5.cloned.1.call-start
scs
__scs_entry_jumppad:
0x0: {  	(pc) =	sbr.rel $0x88, $3  }
0x1: {  	(tag) =	ssettag $0x0;
	lr =	simm.s32 $0x1  }
0x2: {  	[smem:$0x3F9D] =	sst lr;
	_ =	strace $0xD0000000  }
0x3: {  	_ = 	snop  }
0x4: {  	_ = 	snop  }
0x5: {  	_ = 	snop  }
0x6: {  	_ = 	snop  }
0x7: {  	_ = 	snop  }
__scs_overlays_trampoline_lowered:
0x8: {  	[smem:$0x3FAC] =	sst s0  }
0x9: {  	[smem:$0x3FAD] =	sst s1  }
0xa: {  	[smem:$0x3FAE] =	sst s2  }
0xb: {  	[smem:$0x3FAF] =	sst s3  }
0xc: {  	[smem:$0x3FB0] =	sst s4  }
0xd: {  	[smem:$0x3FB1] =	sst s5  }
0xe: {  	[smem:$0x3FB2] =	sst s6  }
0xf: {  	[smem:$0x3FB3] =	sst s7  }
0x10: {  	[smem:$0x3FB4] =	sst s8  }
0x11: {  	[smem:$0x3FB5] =	sst s9;
	s0 =	simm.s32 @!p0 $0x0  }
0x12: {  	s1 =	sld [smem:$0x3F9B];
	s0 =	simm.s32 @p0 $0x1  }
0x13: {  	[smem:$0x3FB6] =	sst s0;
	s0 =	simm.s32 @!p1 $0x0  }
0x14: {  	s2 =	sld [smem:$0x3F9A];
	s0 =	simm.s32 @p1 $0x1  }
0x15: {  	[smem:$0x3FB7] =	sst s0;
	s0 =	simm.s32 @!p2 $0x0  }
0x16: {  	s3 =	sld [smem:$0x3FDB];
	s0 =	simm.s32 @p2 $0x1  }
0x17: {  	s4 =	simm.s32 $0x1BF5;
	[smem:$0x3FB9] =	sst s0  }
0x18: {  	s0 =	sld [smem:$0x3F9C];
	_ =	swait.ge [sflag:s4], $0x0  }
0x19: {  	s7 =	sld [smem:$0x3F9D]  }
0x1a: {  	s8 =	sadd.s32 $0xFFFFE003, lr  }
0x1b: {  	s9 =	sadd.s32 $0xFFFFFEF7, lr;
	s5 =	simm.s32 $0xFFFFFFFF;
	p2 =	slt.u32 s8, $0xFFFFF086  }
0x1c: {  	p1 =	slt.u32 s9, $0xF7A;
	s5 =	simm.s32 @!p2 $0x0  }
0x1d: {  	s5 =	simm.s32 @p1 $0x1;
	p0 =	seq.s32 s7, s2  }
0x1e: {  	s7 =	smul.u32 @!p0 $0xF7A, s2;
	p2 =	seq.s32 @!p0 s5, $0x0  }
0x1f: {  	s9 =	smul.u32 $0xF7A, s1;
	s8 =	simm.s32 @!p0 $0x1BF5;
	p2 =	por !p2, p0  }
0x20: {  	[sflag:s8] =	ssyncset.s32 @!p0 $0xFFFFF086;
	s6 =	sadd.s32 @!p0 s3, s7;
	s7 =	simm.s32 @!p0 $0x108  }
0x21: {  	s3 =	sadd.s32 s3, s9;
	s6 =	sadd.s32 @!p0 $0x88, s6;
	s7 =	simm.s32 @p2 $0x1082  }
0x22: {  	[simem:s7], [sflag:s8] =	dma.local @!p0 [hbm:s6], $0xF7A  }
0x23: {  	s9 =	sor.u32 $0xD0000000, s2;
	s6 =	simm.s32 $0x108;
	_ =	swait.ge @!p0 [sflag:s8], $0x0  }
0x24: {  	s3 =	sadd.s32 $0x88, s3;
	s6 =	simm.s32 @!p1 $0x1082;
	[sflag:s4] =	ssyncset.s32 $0xFFFFF086  }
0x25: {  	[simem:s6], [sflag:s4] =	dma.local [hbm:s3], $0xF7A  }
0x26: {  	[smem:$0x3F9D] =	sst s1;
	(tag) =	ssettag s2;
	_ =	strace s9  }
0x27: {  	s1 =	sld [smem:$0x3FAD]  }
0x28: {  	s2 =	sld [smem:$0x3FAE]  }
0x29: {  	s4 =	sld [smem:$0x3FB0]  }
0x2a: {  	p0 =	seq.s32 s5, $0x0;
	s5 =	sld [smem:$0x3FB1]  }
0x2b: {  	s6 =	sld [smem:$0x3FB2]  }
0x2c: {  	s7 =	sld [smem:$0x3FB3]  }
0x2d: {  	s3 =	simm.s32 $0x108;
	s8 =	sld [smem:$0x3FB4]  }
0x2e: {  	s3 =	simm.s32 @!p0 $0x1082;
	s9 =	sld [smem:$0x3FB5]  }
0x2f: {  	lr =	sadd.s32 s0, s3;
	s0 =	sld [smem:$0x3FAC]  }
0x30: {  	s3 =	sld [smem:$0x3FAF]  }
0x31: {  	[smem:$0x3FB8] =	sst s10  }
0x32: {  	s10 =	sld [smem:$0x3FB6];
	_ =	sdelay $0x3  }
0x33: {  	p0 =	seq.s32 s10, $0x1;
	s10 =	sld [smem:$0x3FB8];
	_ =	sdelay $0x3  }
0x34: {  	[smem:$0x3FB8] =	sst s10  }
0x35: {  	s10 =	sld [smem:$0x3FB7];
	_ =	sdelay $0x3  }
0x36: {  	p1 =	seq.s32 s10, $0x1;
	s10 =	sld [smem:$0x3FB8];
	_ =	sdelay $0x3  }
0x37: {  	[smem:$0x3FB8] =	sst s10  }
0x38: {  	s10 =	sld [smem:$0x3FB9]  }
0x39: {  	_ = 	snop;
	(pc) =	sbr.ind lr, $3  }
0x3a: {  	_ = 	snop  }
0x3b: {  	_ = 	snop  }
0x3c: {  	p2 =	seq.s32 s10, $0x1;
	s10 =	sld [smem:$0x3FB8]  }
0x3d: {  	_ =	shalt  }
0x3e: {  	_ =	shalt  }
0x3f: {  	_ =	shalt  }
0x40: {  	_ =	shalt  }
0x41: {  	_ =	shalt  }
0x42: {  	_ =	shalt  }
0x43: {  	_ =	shalt  }
0x44: {  	_ =	shalt  }
0x45: {  	_ =	shalt  }
0x46: {  	_ =	shalt  }
0x47: {  	_ =	shalt  }
0x48: {  	_ =	shalt  }
0x49: {  	_ =	shalt  }
0x4a: {  	_ =	shalt  }
0x4b: {  	_ =	shalt  }
0x4c: {  	_ =	shalt  }
0x4d: {  	_ =	shalt  }
0x4e: {  	_ =	shalt  }
0x4f: {  	_ =	shalt  }
0x50: {  	_ =	shalt  }
0x51: {  	_ =	shalt  }
0x52: {  	_ =	shalt  }
0x53: {  	_ =	shalt  }
0x54: {  	_ =	shalt  }
0x55: {  	_ =	shalt  }
0x56: {  	_ =	shalt  }
0x57: {  	_ =	shalt  }
0x58: {  	_ =	shalt  }
0x59: {  	_ =	shalt  }
0x5a: {  	_ =	shalt  }
0x5b: {  	_ =	shalt  }
0x5c: {  	_ =	shalt  }
0x5d: {  	_ =	shalt  }
0x5e: {  	_ =	shalt  }
0x5f: {  	_ =	shalt  }
0x60: {  	_ =	shalt  }
0x61: {  	_ =	shalt  }
0x62: {  	_ =	shalt  }
0x63: {  	_ =	shalt  }
0x64: {  	_ =	shalt  }
0x65: {  	_ =	shalt  }
0x66: {  	_ =	shalt  }
0x67: {  	_ =	shalt  }
0x68: {  	_ =	shalt  }
0x69: {  	_ =	shalt  }
0x6a: {  	_ =	shalt  }
0x6b: {  	_ =	shalt  }
0x6c: {  	_ =	shalt  }
0x6d: {  	_ =	shalt  }
0x6e: {  	_ =	shalt  }
0x6f: {  	_ =	shalt  }
0x70: {  	_ =	shalt  }
0x71: {  	_ =	shalt  }
0x72: {  	_ =	shalt  }
0x73: {  	_ =	shalt  }
0x74: {  	_ =	shalt  }
0x75: {  	_ =	shalt  }
0x76: {  	_ =	shalt  }
0x77: {  	_ =	shalt  }
0x78: {  	_ =	shalt  }
0x79: {  	_ =	shalt  }
0x7a: {  	_ =	shalt  }
0x7b: {  	_ =	shalt  }
0x7c: {  	_ =	shalt  }
0x7d: {  	_ =	shalt  }
0x7e: {  	_ =	shalt  }
0x7f: {  	_ =	shalt  }
0x80: {  	_ =	shalt  }
0x81: {  	_ =	shalt  }
0x82: {  	_ =	shalt  }
0x83: {  	_ =	shalt  }
0x84: {  	_ =	shalt  }
0x85: {  	_ =	shalt  }
0x86: {  	_ =	shalt  }
0x87: {  	_ =	shalt  }
.Lfunc_end0:
.L_simem_size_0:
called_computation_lowered:
.L_overlay_start_0:
0x88: {  	s2 =	sld [smem:$0x3FD9]  }
0x89: {  	s3 =	sld [smem:$0x3FFE];
	_ =	sdelay $0x1  }
0x8a: {  	s1 =	srdreg.scid  }
0x8b: {  	s0 =	sand.u32 $0x1, s1  }
0x8c: {  	s15 =	sshll.u32 s0, $0xA;
	s2 =	sadd.s32 s3, s2  }
0x8d: {  	s2 =	sadd.s32 s2, s15  }
0x8e: {  	[smem:$0x3FC4] =	sst s2  }
0x8f: {  	_ = 	snop  }
0x90: {  	s2 =	sld [smem:$0x3FD0];
	_ =	sdelay $0x2  }
0x91: {  	s4 =	simm.s32 $0xA;
	s5 =	simm.s32 $0x10;
	s16 =	sld [smem:$0x3FC9]  }
0x92: {  	[smem:s5], [sflag:s4] =	dma.local [hbm:s2], $0x1  }
0x93: {  	_ =	swait.eq [sflag:s4], $0x1  }
0x94: {  	s17 =	sld [smem:$0x10]  }
0x95: {  	s18 =	sld [smem:$0x11];
	[sflag:s4] =	ssyncset.done $0x0  }
0x96: {  	s6 =	sld [smem:$0x12];
	[sflag:s4] =	ssyncadd.s32 $0xFFFFFFFF  }
0x97: {  	s19 =	sld [smem:$0x13];
	(tm) =	ssettm $0x1  }
0x98: {  	s7 =	sld [smem:$0x3FFB];
	_ =	sdelay $0x3  }
0x99: {  	_ =	strace s7  }
0x9a: {  	s7 =	sld [smem:$0x3FFC];
	_ =	sdelay $0x3  }
0x9b: {  	_ =	strace s7  }
0x9c: {  	s7 =	sld [smem:$0x3FFD];
	_ =	sdelay $0x3  }
0x9d: {  	_ =	strace s7  }
0x9e: {  	_ =	strace $0x8FFFFFFF  }
0x9f: {  	s20 =	sld [smem:$0x3FDB];
	_ =	sdelay $0x1  }
0xa0: {  	s8 =	simm.s32 $_scs_section_size  }
0xa1: {  	s9 =	simm.s32 $_size__tile_overlayer_lowered;
	s10 =	simm.s32 $_tile_overlayer_lowered  }
0xa2: {  	s23 =	simm.s32 $0x1BFF;
	s22 =	sshll.u32 s10, $0x1;
	s7 =	sadd.s32 s8, s20  }
0xa3: {  	s11 =	simm.s32 $0x0;
	s21 =	sshll.u32 s9, $0x1;
	s9 =	sadd.s32 s22, s7  }
0xa4: {  	[timem:s11], [sflag:s23] =	dma.local [hbm:s9], s21  }
0xa5: {  	_ =	swait.ge [sflag:s23], s21  }
0xa6: {  	s8 =	ssub.s32 $0x0, s21;
	[sflag:s23] =	ssyncset.done $0x0  }
0xa7: {  	[sflag:s23] =	ssyncadd.s32 s8;
	_ =	sdelay $0x1  }
0xa8: {  	s24 =	simm.s32 $0x1B8B  }
0xa9: {  	_ =	swait.ge [sflag:s24], $0x1  }
0xaa: {  	[sflag:s24] =	ssyncset.done $0x0  }
0xab: {  	s25 =	simm.s32 $0x1B8E;
	[sflag:s24] =	ssyncadd.s32 $0xFFFFFFFF  }
0xac: {  	s26 =	simm.s32 $execute0_lowered;
	[smem:$0x3FD2] =	sst s25  }
0xad: {  	s8 =	sshll.u32 s26, $0x1;
	_ =	strace $0x80000046;
	[dreg:$0x1] =	wrdreg $0xFFFFFFFF  }
0xae: {  	s28 =	simm.s32 $_size_execute0_lowered;
	s7 =	sadd.s32 s7, s8;
	[dreg:$0x0] =	wrdreg $0x0  }
0xaf: {  	s8 =	sshll.u32 s28, $0x1;
	[dreg:$0x2] =	wrdreg s7  }
0xb0: {  	[dreg:$0x3] =	wrdreg s8  }
0xb1: {  	[dreg:$0x4] =	wrdreg $0xC0  }
0xb2: {  	_ =	task [dreg:s11], $0x5FFFF  }
0xb3: {  	[dreg:$0x1] =	wrdreg $0xFFFFFFFF  }
0xb4: {  	[dreg:$0x0] =	wrdreg $0x60  }
0xb5: {  	[dreg:$0x2] =	wrdreg s16  }
0xb6: {  	[dreg:$0x3] =	wrdreg s6  }
0xb7: {  	[dreg:$0x4] =	wrdreg s18  }
0xb8: {  	[dreg:$0x5] =	wrdreg s17  }
0xb9: {  	[dreg:$0x6] =	wrdreg s19  }
0xba: {  	[dreg:$0x7] =	wrdreg $0x9  }
0xbb: {  	_ =	task.clear_ibuf [dreg:s11], $0x8FFFF;
	_ =	strace $0x90000046  }
0xbc: {  	s29 =	simm.s32 $0x9;
	_ =	strace $0x80000048  }
0xbd: {  	_ =	swait.ge [sflag:s29], $0x1  }
0xbe: {  	[sflag:s29] =	ssyncadd.s32 $0xFFFFFFFF  }
0xbf: {  	_ =	strace $0x90000048  }
0xc0: {  	_ =	sfence  }
0xc1: {  	s30 =	sld [smem:$0x0];
	_ =	sdelay $0x2  }
0xc2: {  	s31 =	sshll.u32 s1, $0xD;
	s1 =	sshrl.u32 s1, $0x2  }
0xc3: {  	s3 =	sand.u32 $0x4000, s31;
	s1 =	sadd.s32 s1, s30  }
0xc4: {  	s0 =	sor.u32 s3, s0;
	s1 =	sshll.u32 s1, $0x11  }
0xc5: {  	s0 =	sor.u32 s1, s0  }
0xc6: {  	s0 =	sadd.s32 $0x8F2B, s0  }
0xc7: {  	[sflag:s0] =	ssyncadd.remote.s32 $0x1  }
0xc8: {  	_ =	sfence.sel $0xFFFF  }
0xc9: {  	[dreg:$0x0] =	wrdreg $0xFFFFFFFF;
	(pc) =	sbr.abs _section_cstart, $3  }
0xca: {  	[dreg:$0x1] =	wrdreg $0xFFFFFFFF  }
0xcb: {  	_ =	task.clear_ibuf [dreg:s11], $0x2FFFF;
	_ =	strace $0x9FFFFFFF  }
0xcc: {  	(tm) =	ssettm $0x7FFFFFFF  }
0xcd: {  	_ =	shalt  }
tec
execute0_lowered:
.L_overlay_start_1:
0x0: {  	(tag) =	ssettag $0x1  }
0x1: {  	s4 =	rddreg [dreg:$0x0]  }
0x2: {  	s0 =	rddreg [dreg:$0x1]  }
0x3: {  	s5 =	rddreg [dreg:$0x2];
	v0 =	vimm.s32 $0xBA98FEDC;
	v1 =	vimm.s32 $0x32107654  }
0x4: {  	s6 =	rddreg [dreg:$0x3];
	v2 =	vunpack.c.l.s4.s8 v0;
	v1 =	vunpack.c.l.s4.s8 v1  }
0x5: {  	s7 =	rddreg [dreg:$0x4];
	s2 =	simm.s32 $0x0;
	s8 =	srdreg.scid;
	v3 =	vimm.s32 $0x76543210;
	v4 =	vimm.s32 $0xDCFE98BA  }
0x6: {  	s3 =	stileid.u32;
	v5 =	vimm.s32 $0xFEDCBA98;
	s12 =	simm.s32 $0x80;
	s13 =	simm.s32 $0x880;
	v2 =	vunpack.c.0.s8.s32 v2;
	v1 =	vunpack.c.0.s8.s32 v1  }
0x7: {  	v6 =	vimm.s32 $0x54761032;
	s14 =	simm.s32 $0x1080;
	s15 =	simm.s32 $0x1880;
	vm0 =	vmmov $0xffff;
	s16 =	simm.s32 $0x2080;
	v4 =	vunpack.c.l.s4.s8 v4  }
0x8: {  	s17 =	simm.s32 $0x2880;
	s18 =	simm.s32 $0x3080;
	s19 =	simm.s32 $0x3880;
	v0 =	vlaneseq.u32;
	v7 =	vcombine.low v1, v2;
	v1 =	vunpack.c.l.s4.s8 v6  }
0x9: {  	s20 =	simm.s32 $0x1;
	s21 =	simm.s32 $0x3;
	s22 =	simm.s32 $0x6080;
	v2 =	vunpack.c.0.s8.s32 v4;
	v4 =	vimm.s32 $0xEFCDAB89;
	v6 =	vimm.s32 $0x67452301  }
0xa: {  	s23 =	simm.s32 $0x4;
	s24 =	simm.s32 $0x0;
	s8 =	sand.u32 $0x1, s8;
	v5 =	vunpack.c.l.s4.s8 v5;
	v4 =	vunpack.c.l.s4.s8 v4;
	v6 =	vunpack.c.l.s4.s8 v6  }
0xb: {  	s10 =	sshll.u32 s3, $0x6;
	v3 =	vunpack.c.l.s4.s8 v3;
	s9 =	ssub.s32 $0x2, s8;
	s8 =	sshll.u32 s8, $0x5;
	v8 =	vshrl.u32 v0, $0x3;
	v1 =	vunpack.c.0.s8.s32 v1  }
0xc: {  	[smem:$0x7FF] =	sst s2;
	s11 =	sshrl.u32 s9, $0x1;
	s8 =	sor.u32 s8, s10;
	v5 =	vunpack.c.0.s8.s32 v5;
	v4 =	vunpack.c.0.s8.s32 v4;
	v6 =	vunpack.c.0.s8.s32 v6  }
0xd: {  	_ =	strace $0x80000047;
	s9 =	ssub.s32 s9, s11;
	s10 =	sshll.u32 s8, $0x5;
	v9 =	vcombine.low v1, v2;
	v2 =	vmul.u32 $0x8, v8;
	v8 =	vunpack.c.0.s8.s32 v3  }
0xe: {  	s8 =	sshrl.u32 s8, $0x3;
	s11 =	simm.s32 $0x2;
	s4 =	sadd.s32 s4, s10;
	v5 =	vand.u32 $0xF, v5;
	v1 =	vand.u32 $0x7, v0;
	v10 =	vcombine.low v6, v4  }
0xf: {  	s5 =	sadd.s32 s5, s8;
	s6 =	sadd.s32 s6, s8;
	s7 =	sadd.s32 s7, s8;
	v3 =	vor.u32 $0x8, v0;
	v4 =	vcombine.low v5, v8;
	v5 =	vand.u32 $0xF, v7  }
0x10: {  	s8 =	smax.u32 s9, $0x1;
	s9 =	simm.s32 $0x4080;
	s10 =	simm.s32 $0x20;
	v6 =	vand.u32 $0xF, v9;
	v8 =	vimm.s32 $0x0;
	v7 =	vand.u32 $0xF, v10  }
.LBB2_1:
0x11: {  	[tilespmem:s9], [sflag:$0x1] =	stream.linear.gather [hbm4b:s4+s2], $0x2000, $0x38;
	[tilespmem:$0x6100] =	vst v63  }
0x12: {  	_ = 	snop  }
0x13: {  	[tilespmem:s2], [sflag:$0x2] =	stream.linear.gather [hbm4b:s5+s2], $0x20, $0x38;
	[tilespmem:$0x6100] =	vst v63  }
0x14: {  	_ = 	snop  }
0x15: {  	[tilespmem:s10], [sflag:$0x2] =	stream.linear.gather [hbm4b:s6+s2], $0x20, $0x38;
	[tilespmem:$0x6100] =	vst v63  }
0x16: {  	_ =	swait.ge [sflag:s11], $0x20  }
0x17: {  	[sflag:s11] =	ssyncset.done $0x0  }
0x18: {  	[sflag:s11] =	ssyncadd.s32 $0xFFFFFFE0  }
0x19: {  	_ =	swait.ge [sflag:s11], $0x20  }
0x1a: {  	[sflag:s11] =	ssyncset.done $0x0  }
0x1b: {  	[sflag:s11] =	ssyncadd.s32 $0xFFFFFFE0  }
0x1c: {  	v9 =	vld [tilespmem:$0x0];
	_ =	sdelay $0x4  }
0x1d: {  	v10 =	vshll.u32 v9, $0x1  }
0x1e: {  	v9 =	vand.u32 $0x7, v9;
	v10 =	vand.u32 $0xFFFFFFF0, v10  }
0x1f: {  	v9 =	vor.u32 v9, v10  }
0x20: {  	v10 =	vperm.xlane v9, v1;
	_ =	sdelay $0x1  }
0x21: {  	v9 =	vperm.xlane v9, v3;
	v10 =	vadd.s32 v2, v10;
	_ =	sdelay $0x1  }
0x22: {  	v9 =	vadd.s32 v2, v9;
	_ =	sdelay $0x2  }
0x23: {  	[tilespmem:s12], [sflag:$0x3] =	stream.indirect_vreg.gather [hbm4b:s0+s2], $0x80, v10, vm0, $0xb8;
	[tilespmem:$0x6100] =	vst v63  }
0x24: {  	_ = 	snop  }
0x25: {  	[tilespmem:s13], [sflag:$0x3] =	stream.indirect_vreg.gather [hbm4b:s0+s2], $0x80, v9, vm0, $0xb8;
	[tilespmem:$0x6100] =	vst v63  }
0x26: {  	v9 =	vld [tilespmem:$0x10];
	_ =	sdelay $0x4  }
0x27: {  	v10 =	vshll.u32 v9, $0x1  }
0x28: {  	v9 =	vand.u32 $0x7, v9;
	v10 =	vand.u32 $0xFFFFFFF0, v10  }
0x29: {  	v9 =	vor.u32 v9, v10  }
0x2a: {  	v10 =	vperm.xlane v9, v1;
	_ =	sdelay $0x1  }
0x2b: {  	v9 =	vperm.xlane v9, v3;
	v10 =	vadd.s32 v2, v10;
	_ =	sdelay $0x1  }
0x2c: {  	v9 =	vadd.s32 v2, v9;
	_ =	sdelay $0x2  }
0x2d: {  	[tilespmem:s14], [sflag:$0x3] =	stream.indirect_vreg.gather [hbm4b:s0+s2], $0x80, v10, vm0, $0xb8;
	[tilespmem:$0x6100] =	vst v63  }
0x2e: {  	_ = 	snop  }
0x2f: {  	[tilespmem:s15], [sflag:$0x3] =	stream.indirect_vreg.gather [hbm4b:s0+s2], $0x80, v9, vm0, $0xb8;
	[tilespmem:$0x6100] =	vst v63  }
0x30: {  	v9 =	vld [tilespmem:$0x20];
	_ =	sdelay $0x4  }
0x31: {  	v10 =	vshll.u32 v9, $0x1  }
0x32: {  	v9 =	vand.u32 $0x7, v9;
	v10 =	vand.u32 $0xFFFFFFF0, v10  }
0x33: {  	v9 =	vor.u32 v9, v10  }
0x34: {  	v10 =	vperm.xlane v9, v1;
	_ =	sdelay $0x1  }
0x35: {  	v9 =	vperm.xlane v9, v3;
	v10 =	vadd.s32 v2, v10;
	_ =	sdelay $0x1  }
0x36: {  	v9 =	vadd.s32 v2, v9;
	_ =	sdelay $0x2  }
0x37: {  	[tilespmem:s16], [sflag:$0x3] =	stream.indirect_vreg.gather [hbm4b:s0+s2], $0x80, v10, vm0, $0xb8;
	[tilespmem:$0x6100] =	vst v63  }
0x38: {  	_ = 	snop  }
0x39: {  	[tilespmem:s17], [sflag:$0x3] =	stream.indirect_vreg.gather [hbm4b:s0+s2], $0x80, v9, vm0, $0xb8;
	[tilespmem:$0x6100] =	vst v63  }
0x3a: {  	v9 =	vld [tilespmem:$0x30];
	_ =	sdelay $0x4  }
0x3b: {  	v10 =	vshll.u32 v9, $0x1  }
0x3c: {  	v9 =	vand.u32 $0x7, v9;
	v10 =	vand.u32 $0xFFFFFFF0, v10  }
0x3d: {  	v9 =	vor.u32 v9, v10  }
0x3e: {  	v10 =	vperm.xlane v9, v1;
	_ =	sdelay $0x1  }
0x3f: {  	v9 =	vperm.xlane v9, v3;
	v10 =	vadd.s32 v2, v10;
	_ =	sdelay $0x1  }
0x40: {  	v9 =	vadd.s32 v2, v9;
	_ =	sdelay $0x2  }
0x41: {  	[tilespmem:s18], [sflag:$0x3] =	stream.indirect_vreg.gather [hbm4b:s0+s2], $0x80, v10, vm0, $0xb8;
	[tilespmem:$0x6100] =	vst v63  }
0x42: {  	_ = 	snop  }
0x43: {  	[tilespmem:s19], [sflag:$0x3] =	stream.indirect_vreg.gather [hbm4b:s0+s2], $0x80, v9, vm0, $0xb8;
	[tilespmem:$0x6100] =	vst v63  }
0x44: {  	_ =	swait.ge [sflag:s20], $0x2000  }
0x45: {  	[sflag:s20] =	ssyncset.done $0x0  }
0x46: {  	[sflag:s20] =	ssyncadd.s32 $0xFFFFE000  }
0x47: {  	_ =	swait.ge [sflag:s21], $0x4000  }
0x48: {  	s25 =	sand.u32 $0x800, s2;
	s26 =	sand.u32 $0x380, s2;
	[sflag:s21] =	ssyncset.done $0x0  }
0x49: {  	s26 =	sor.u32 s25, s26;
	[sflag:s21] =	ssyncadd.s32 $0xFFFFC000  }
0x4a: {  	v9 =	vld [tilespmem:s26+$0x54F0]  }
0x4b: {  	v10 =	vld [tilespmem:s26+$0x54E0]  }
0x4c: {  	v11 =	vld [tilespmem:s26+$0x54D0]  }
0x4d: {  	v12 =	vld [tilespmem:s26+$0x54C0]  }
0x4e: {  	v13 =	vld [tilespmem:s26+$0x54B0]  }
0x4f: {  	v14 =	vld [tilespmem:s26+$0x54A0]  }
0x50: {  	v15 =	vld [tilespmem:s26+$0x5490]  }
0x51: {  	v16 =	vld [tilespmem:s26+$0x5480]  }
0x52: {  	v17 =	vld [tilespmem:s26+$0x50F0]  }
0x53: {  	v18 =	vld [tilespmem:s26+$0x50E0]  }
0x54: {  	v19 =	vld [tilespmem:s26+$0x50D0]  }
0x55: {  	v20 =	vld [tilespmem:s26+$0x50C0]  }
0x56: {  	v21 =	vld [tilespmem:s26+$0x50B0]  }
0x57: {  	v22 =	vld [tilespmem:s26+$0x10B0]  }
0x58: {  	v23 =	vld [tilespmem:s26+$0x50A0]  }
0x59: {  	v24 =	vld [tilespmem:s26+$0x5080]  }
0x5a: {  	v25 =	vld [tilespmem:s26+$0x1080]  }
0x5b: {  	v26 =	vld [tilespmem:s26+$0x3080]  }
0x5c: {  	v27 =	vld [tilespmem:s26+$0x5090]  }
0x5d: {  	v28 =	vld [tilespmem:s26+$0x1090]  }
0x5e: {  	v29 =	vld [tilespmem:s26+$0x3090]  }
0x5f: {  	v30 =	vld [tilespmem:s26+$0x10A0]  }
0x60: {  	v31 =	vld [tilespmem:s26+$0x30A0]  }
0x61: {  	v32 =	vld [tilespmem:s26+$0x30B0]  }
0x62: {  	v33 =	vld [tilespmem:s26+$0x10C0]  }
0x63: {  	v34 =	vld [tilespmem:s26+$0x30C0]  }
0x64: {  	v35 =	vld [tilespmem:s26+$0x10D0]  }
0x65: {  	v36 =	vld [tilespmem:s26+$0x30D0]  }
0x66: {  	v37 =	vld [tilespmem:s26+$0x10E0]  }
0x67: {  	v38 =	vld [tilespmem:s26+$0x30E0]  }
0x68: {  	v39 =	vld [tilespmem:s26+$0x10F0]  }
0x69: {  	v40 =	vld [tilespmem:s26+$0x30F0]  }
0x6a: {  	v41 =	vld [tilespmem:s26+$0x1480]  }
0x6b: {  	v42 =	vld [tilespmem:s26+$0x3490];
	v25 =	vsub.f32 v24, v25;
	v24 =	vsub.f32 v24, v26  }
0x6c: {  	v59 =	vld [tilespmem:s26+$0x14B0];
	v26 =	vsub.f32 v27, v28;
	v27 =	vsub.f32 v27, v29  }
0x6d: {  	v60 =	vld [tilespmem:s26+$0x14C0];
	v30 =	vsub.f32 v23, v30;
	v25 =	vmul.f32 v25, v25;
	v24 =	vmul.f32 v24, v24  }
0x6e: {  	v61 =	vld [tilespmem:s26+$0x14D0];
	v23 =	vsub.f32 v23, v31;
	v26 =	vmul.f32 v26, v26;
	v27 =	vmul.f32 v27, v27  }
0x6f: {  	v62 =	vld [tilespmem:s26+$0x14E0];
	v22 =	vsub.f32 v21, v22;
	v21 =	vsub.f32 v21, v32;
	v30 =	vmul.f32 v30, v30  }
0x70: {  	v63 =	vld [tilespmem:s26+$0x14F0];
	v23 =	vmul.f32 v23, v23;
	v25 =	vadd.f32 v26, v25;
	v24 =	vadd.f32 v27, v24  }
0x71: {  	v28 =	vld [tilespmem:s26+$0x3480];
	v22 =	vmul.f32 v22, v22;
	v27 =	vsub.f32 v20, v33;
	v20 =	vsub.f32 v20, v34  }
0x72: {  	v29 =	vld [tilespmem:s26+$0x1490];
	v21 =	vmul.f32 v21, v21;
	v25 =	vadd.f32 v30, v25;
	v23 =	vadd.f32 v23, v24  }
0x73: {  	v31 =	vld [tilespmem:s26+$0x14A0];
	v24 =	vsub.f32 v19, v35;
	v19 =	vsub.f32 v19, v36;
	v27 =	vmul.f32 v27, v27  }
0x74: {  	v26 =	vld [tilespmem:s26+$0x34A0];
	v20 =	vmul.f32 v20, v20;
	v22 =	vadd.f32 v22, v25;
	v21 =	vadd.f32 v21, v23  }
0x75: {  	v30 =	vld [tilespmem:s26+$0x34B0];
	v23 =	vsub.f32 v18, v37;
	v18 =	vsub.f32 v18, v38;
	v24 =	vmul.f32 v24, v24  }
0x76: {  	v25 =	vld [tilespmem:s26+$0x34C0];
	v19 =	vmul.f32 v19, v19;
	v22 =	vadd.f32 v27, v22;
	v20 =	vadd.f32 v20, v21  }
0x77: {  	v27 =	vld [tilespmem:s26+$0x34D0];
	v21 =	vsub.f32 v17, v39;
	v17 =	vsub.f32 v17, v40;
	v23 =	vmul.f32 v23, v23  }
0x78: {  	v18 =	vmul.f32 v18, v18;
	v22 =	vadd.f32 v24, v22;
	v24 =	vld [tilespmem:s26+$0x34E0];
	v19 =	vadd.f32 v19, v20  }
0x79: {  	v20 =	vsub.f32 v16, v41;
	v16 =	vsub.f32 v16, v28;
	v21 =	vmul.f32 v21, v21;
	v28 =	vld [tilespmem:s26+$0x4080]  }
0x7a: {  	v17 =	vmul.f32 v17, v17;
	v22 =	vadd.f32 v23, v22;
	v23 =	vld [tilespmem:s26+$0x34F0];
	v18 =	vadd.f32 v18, v19  }
0x7b: {  	v19 =	vsub.f32 v15, v29;
	v15 =	vsub.f32 v15, v42;
	v20 =	vmul.f32 v20, v20;
	v29 =	vld [tilespmem:s26+$0x2080]  }
0x7c: {  	v16 =	vmul.f32 v16, v16;
	v21 =	vadd.f32 v21, v22;
	v22 =	vld [tilespmem:s26+$0x80];
	v17 =	vadd.f32 v17, v18  }
0x7d: {  	v18 =	vsub.f32 v14, v31;
	v14 =	vsub.f32 v14, v26;
	v26 =	vld [tilespmem:s26+$0x90]  }
0x7e: {  	v31 =	vld [tilespmem:s26+$0x20D0];
	v20 =	vadd.f32 v20, v21;
	v16 =	vadd.f32 v16, v17  }
0x7f: {  	v19 =	vmul.f32 v19, v19;
	v21 =	vld [tilespmem:s26+$0x4090];
	v17 =	vsub.f32 v13, v59;
	v13 =	vsub.f32 v13, v30  }
0x80: {  	v15 =	vmul.f32 v15, v15;
	v30 =	vsub.f32 v12, v60;
	v12 =	vsub.f32 v12, v25;
	v25 =	vld [tilespmem:s26+$0xA0]  }
0x81: {  	v18 =	vmul.f32 v18, v18;
	v14 =	vmul.f32 v14, v14;
	v19 =	vadd.f32 v19, v20;
	v20 =	vld [tilespmem:s26+$0x2090]  }
0x82: {  	v15 =	vadd.f32 v15, v16;
	v16 =	vld [tilespmem:s26+$0x40A0];
	v17 =	vmul.f32 v17, v17;
	v22 =	vsub.f32 v28, v22  }
0x83: {  	v13 =	vmul.f32 v13, v13;
	v28 =	vsub.f32 v28, v29;
	v29 =	vld [tilespmem:s26+$0x20C0];
	v18 =	vadd.f32 v18, v19  }
0x84: {  	v14 =	vadd.f32 v14, v15;
	v15 =	vld [tilespmem:s26+$0x20A0];
	v19 =	vmul.f32 v30, v30;
	v30 =	vsub.f32 v11, v61  }
0x85: {  	v11 =	vsub.f32 v11, v27;
	v27 =	vld [tilespmem:s26+$0x40B0];
	v26 =	vsub.f32 v21, v26  }
0x86: {  	v12 =	vmul.f32 v12, v12;
	v17 =	vadd.f32 v17, v18;
	v13 =	vadd.f32 v13, v14;
	v14 =	vld [tilespmem:s26+$0xB0]  }
0x87: {  	v22 =	vmul.f32 v22, v22;
	v18 =	vsub.f32 v10, v62;
	v10 =	vsub.f32 v10, v24;
	v24 =	vld [tilespmem:s26+$0x20B0]  }
0x88: {  	v28 =	vmul.f32 v28, v28;
	v30 =	vmul.f32 v30, v30;
	v20 =	vsub.f32 v21, v20;
	v21 =	vld [tilespmem:s26+$0x40D0]  }
0x89: {  	v11 =	vmul.f32 v11, v11;
	v17 =	vadd.f32 v19, v17;
	v12 =	vadd.f32 v12, v13;
	v13 =	vld [tilespmem:s26+$0x40C0]  }
0x8a: {  	v26 =	vmul.f32 v26, v26;
	v19 =	vsub.f32 v9, v63;
	v9 =	vsub.f32 v9, v23;
	v23 =	vld [tilespmem:s26+$0xC0]  }
0x8b: {  	v25 =	vsub.f32 v16, v25;
	v18 =	vmul.f32 v18, v18;
	v17 =	vadd.f32 v30, v17;
	v30 =	vld [tilespmem:s26+$0xD0]  }
0x8c: {  	v20 =	vmul.f32 v20, v20;
	v11 =	vadd.f32 v11, v12;
	v12 =	vsub.f32 v16, v15;
	v15 =	vld [tilespmem:s26+$0x40E0]  }
0x8d: {  	v10 =	vmul.f32 v10, v10;
	v16 =	vadd.f32 v26, v22;
	v22 =	vmul.f32 v25, v25;
	v25 =	vld [tilespmem:s26+$0xE0]  }
0x8e: {  	v26 =	vld [tilespmem:s26+$0x20E0];
	v19 =	vmul.f32 v19, v19;
	v20 =	vadd.f32 v20, v28;
	v14 =	vsub.f32 v27, v14  }
0x8f: {  	v9 =	vmul.f32 v9, v9;
	v24 =	vsub.f32 v27, v24;
	v17 =	vadd.f32 v18, v17;
	v18 =	vld [tilespmem:s26+$0x40F0]  }
0x90: {  	v12 =	vmul.f32 v12, v12;
	v16 =	vadd.f32 v22, v16;
	v22 =	vld [tilespmem:s26+$0xF0];
	v10 =	vadd.f32 v10, v11  }
0x91: {  	v27 =	vld [tilespmem:s26+$0x480];
	v14 =	vmul.f32 v14, v14;
	v23 =	vsub.f32 v13, v23;
	v13 =	vsub.f32 v13, v29  }
0x92: {  	v11 =	vsub.f32 v21, v31;
	v12 =	vadd.f32 v12, v20;
	v20 =	vmul.f32 v24, v24;
	v24 =	vld [tilespmem:s26+$0x20F0]  }
0x93: {  	v17 =	vadd.f32 v19, v17;
	v19 =	vld [tilespmem:s26+$0x44A0];
	v14 =	vadd.f32 v14, v16;
	v13 =	vmul.f32 v13, v13  }
0x94: {  	v16 =	vld [tilespmem:s26+$0x4480];
	v12 =	vadd.f32 v20, v12;
	v20 =	vmul.f32 v23, v23;
	v23 =	vsub.f32 v21, v30  }
0x95: {  	v9 =	vadd.f32 v9, v10;
	v21 =	vld [tilespmem:s26+$0x2480];
	v22 =	vsub.f32 v18, v22  }
0x96: {  	v14 =	vadd.f32 v20, v14;
	v12 =	vadd.f32 v13, v12;
	v13 =	vmul.f32 v23, v23;
	v20 =	vld [tilespmem:s26+$0x4490]  }
0x97: {  	v11 =	vmul.f32 v11, v11;
	v23 =	vsub.f32 v15, v25;
	v15 =	vsub.f32 v15, v26;
	v25 =	vld [tilespmem:s26+$0x490]  }
0x98: {  	v18 =	vsub.f32 v18, v24;
	v24 =	vld [tilespmem:s26+$0x44B0];
	v13 =	vadd.f32 v13, v14  }
0x99: {  	v14 =	vld [tilespmem:s26+$0x2490];
	v11 =	vadd.f32 v11, v12;
	v12 =	vmul.f32 v23, v23;
	v15 =	vmul.f32 v15, v15  }
0x9a: {  	v9 =	vsub.f32 v17, v9;
	v23 =	vld [tilespmem:s26+$0x4A0]  }
0x9b: {  	v18 =	vmul.f32 v18, v18;
	v12 =	vadd.f32 v12, v13;
	v11 =	vadd.f32 v15, v11;
	v13 =	vld [tilespmem:s26+$0x24A0]  }
0x9c: {  	v10 =	vsub.f32 v16, v21;
	v15 =	vmul.f32 v22, v22;
	v22 =	vsub.f32 v16, v27;
	v16 =	vld [tilespmem:s26+$0x4B0]  }
0x9d: {  	v21 =	vsub.f32 v20, v25;
	v11 =	vadd.f32 v18, v11;
	v18 =	vld [tilespmem:s26+$0x24B0]  }
0x9e: {  	v12 =	vadd.f32 v15, v12;
	v15 =	vmul.f32 v22, v22;
	v14 =	vsub.f32 v20, v14;
	v20 =	vld [tilespmem:s26+$0x44C0]  }
0x9f: {  	v10 =	vmul.f32 v10, v10;
	v17 =	vmul.f32 v21, v21;
	v21 =	vsub.f32 v19, v23;
	v23 =	vld [tilespmem:s26+$0x44E0]  }
0xa0: {  	v12 =	vadd.f32 v15, v12;
	v15 =	vld [tilespmem:s26+$0x4C0]  }
0xa1: {  	v10 =	vadd.f32 v10, v11;
	v11 =	vmul.f32 v14, v14;
	v14 =	vld [tilespmem:s26+$0x24C0];
	v13 =	vsub.f32 v19, v13  }
0xa2: {  	v19 =	vld [tilespmem:s26+$0x44D0];
	v16 =	vsub.f32 v24, v16;
	v12 =	vadd.f32 v17, v12  }
0xa3: {  	v17 =	vmul.f32 v21, v21;
	v21 =	vld [tilespmem:s26+$0x24D0];
	v10 =	vadd.f32 v11, v10;
	v13 =	vmul.f32 v13, v13  }
0xa4: {  	v22 =	vperm.xlane v9, v4;
	v11 =	vld [tilespmem:s26+$0x4D0];
	v18 =	vsub.f32 v24, v18  }
0xa5: {  	v12 =	vadd.f32 v17, v12;
	v10 =	vadd.f32 v13, v10;
	v13 =	vmul.f32 v16, v16;
	v16 =	vld [tilespmem:s26+$0x4E0]  }
0xa6: {  	v9 =	vadd.f32 v22, v9;
	v17 =	vmul.f32 v18, v18;
	v15 =	vsub.f32 v20, v15;
	v18 =	vld [tilespmem:s26+$0x24E0]  }
0xa7: {  	s28 =	simm.s32 $0x80;
	s29 =	simm.s32 $0x100;
	v14 =	vsub.f32 v20, v14;
	v20 =	vld [tilespmem:s26+$0x44F0];
	v12 =	vadd.f32 v13, v12  }
0xa8: {  	s31 =	sand.u32 $0x800, s29;
	s30 =	sand.u32 $0x380, s28;
	v10 =	vadd.f32 v17, v10;
	v13 =	vmul.f32 v15, v15;
	v17 =	vld [tilespmem:s26+$0x4F0];
	v15 =	vsub.f32 v19, v21  }
0xa9: {  	s25 =	sor.u32 s31, s30;
	v14 =	vmul.f32 v14, v14;
	v11 =	vsub.f32 v19, v11;
	v19 =	vld [tilespmem:s26+$0x24F0]  }
0xaa: {  	v32 =	vld [tilespmem:s25+$0x3080];
	v21 =	vperm.xlane v9, v5;
	v12 =	vadd.f32 v13, v12;
	v22 =	vmul.f32 v15, v15  }
0xab: {  	v28 =	vld [tilespmem:s25+$0x10B0];
	v10 =	vadd.f32 v14, v10;
	v11 =	vmul.f32 v11, v11;
	v16 =	vsub.f32 v23, v16  }
0xac: {  	v31 =	vld [tilespmem:s25+$0x5090];
	v9 =	vadd.f32 v21, v9;
	v18 =	vsub.f32 v23, v18  }
0xad: {  	v29 =	vld [tilespmem:s25+$0x50A0];
	v11 =	vadd.f32 v11, v12;
	v10 =	vadd.f32 v22, v10;
	v12 =	vmul.f32 v16, v16  }
0xae: {  	v30 =	vld [tilespmem:s25+$0x1080];
	v18 =	vmul.f32 v18, v18;
	v21 =	vsub.f32 v20, v17;
	v22 =	vsub.f32 v20, v19  }
0xaf: {  	v26 =	vld [tilespmem:s25+$0x50C0];
	v23 =	vperm.xlane v9, v6;
	v11 =	vadd.f32 v12, v11  }
0xb0: {  	v27 =	vld [tilespmem:s25+$0x50B0];
	v10 =	vadd.f32 v18, v10;
	v12 =	vmul.f32 v21, v21;
	v18 =	vmul.f32 v22, v22  }
0xb1: {  	v25 =	vld [tilespmem:s25+$0x5080];
	v9 =	vadd.f32 v23, v9  }
0xb2: {  	v24 =	vld [tilespmem:s25+$0x50D0];
	v11 =	vadd.f32 v12, v11;
	v10 =	vadd.f32 v18, v10  }
0xb3: {  	v13 =	vld [tilespmem:s25+$0x54F0]  }
0xb4: {  	v15 =	vld [tilespmem:s25+$0x54D0];
	v12 =	vperm.xlane v9, v7;
	v10 =	vsub.f32 v11, v10  }
0xb5: {  	v14 =	vld [tilespmem:s25+$0x54E0]  }
0xb6: {  	v16 =	vld [tilespmem:s25+$0x54C0];
	v9 =	vadd.f32 v12, v9;
	v11 =	vperm.xlane v10, v4  }
0xb7: {  	v17 =	vld [tilespmem:s25+$0x54B0]  }
0xb8: {  	v19 =	vld [tilespmem:s25+$0x54A0];
	vm1 =	vgt.f32 v9, $0.0e+00;
	v11 =	vadd.f32 v11, v10  }
0xb9: {  	v20 =	vld [tilespmem:s25+$0x5490];
	vm2 =	vlt.f32 v9, $0.0e+00;
	v12 =	vsel vm1, $0x1, v8;
	v10 =	vmov s2  }
0xba: {  	v23 =	vld [tilespmem:s25+$0x50E0];
	v9 =	vsel vm2, $0x1, v8;
	vm1 =	veq.s32 v10, v0;
	v18 =	vperm.xlane v11, v5  }
0xbb: {  	v21 =	vld [tilespmem:s25+$0x5480];
	v10 =	vsel vm1, v12, v8;
	v9 =	vsel vm1, v9, v8  }
0xbc: {  	s30 =	simm.s32 $0x2;
	s26 =	simm.s32 $0x1;
	v22 =	vld [tilespmem:s25+$0x50F0];
	v12 =	vimm.s32 $0x0;
	v18 =	vadd.f32 v18, v11;
	v11 =	vimm.s32 $0x0  }
.LBB2_2:
0xbd: {  	p0 =	sne.s32 s30, $0xF;
	v33 =	vld [tilespmem:s25+$0x1090]  }
0xbe: {  	v34 =	vld [tilespmem:s25+$0x3090];
	v35 =	vperm.xlane v18, v6  }
0xbf: {  	v36 =	vld [tilespmem:s25+$0x10A0]  }
0xc0: {  	v37 =	vld [tilespmem:s25+$0x30A0];
	v18 =	vadd.f32 v35, v18  }
0xc1: {  	v35 =	vld [tilespmem:s25+$0x30B0]  }
0xc2: {  	v30 =	vsub.f32 v25, v30;
	v32 =	vsub.f32 v25, v32;
	v38 =	vld [tilespmem:s25+$0x10C0];
	v25 =	vperm.xlane v18, v7  }
0xc3: {  	v33 =	vsub.f32 v31, v33;
	v31 =	vsub.f32 v31, v34;
	v34 =	vld [tilespmem:s25+$0x30C0]  }
0xc4: {  	v30 =	vmul.f32 v30, v30;
	v32 =	vmul.f32 v32, v32;
	v36 =	vsub.f32 v29, v36;
	v39 =	vld [tilespmem:s25+$0x10D0]  }
0xc5: {  	v33 =	vmul.f32 v33, v33;
	v31 =	vmul.f32 v31, v31;
	v29 =	vsub.f32 v29, v37;
	v37 =	vld [tilespmem:s25+$0x30D0]  }
0xc6: {  	v28 =	vsub.f32 v27, v28;
	v36 =	vmul.f32 v36, v36;
	v27 =	vsub.f32 v27, v35;
	v35 =	vld [tilespmem:s25+$0x10E0]  }
0xc7: {  	v30 =	vadd.f32 v33, v30;
	v31 =	vadd.f32 v31, v32;
	v29 =	vmul.f32 v29, v29;
	v32 =	vld [tilespmem:s25+$0x30E0]  }
0xc8: {  	v28 =	vmul.f32 v28, v28;
	v33 =	vsub.f32 v26, v38;
	v26 =	vsub.f32 v26, v34;
	v34 =	vld [tilespmem:s25+$0x10F0]  }
0xc9: {  	v30 =	vadd.f32 v36, v30;
	v27 =	vmul.f32 v27, v27;
	v29 =	vadd.f32 v29, v31;
	v31 =	vld [tilespmem:s25+$0x30F0]  }
0xca: {  	v33 =	vmul.f32 v33, v33;
	v36 =	vsub.f32 v24, v39;
	v24 =	vsub.f32 v24, v37;
	v37 =	vld [tilespmem:s25+$0x1480]  }
0xcb: {  	v28 =	vadd.f32 v28, v30;
	v26 =	vmul.f32 v26, v26;
	v27 =	vadd.f32 v27, v29;
	v29 =	vld [tilespmem:s25+$0x3480]  }
0xcc: {  	v30 =	vmul.f32 v36, v36;
	v35 =	vsub.f32 v23, v35;
	v23 =	vsub.f32 v23, v32;
	v32 =	vld [tilespmem:s25+$0x1490]  }
0xcd: {  	v28 =	vadd.f32 v33, v28;
	v24 =	vmul.f32 v24, v24;
	v26 =	vadd.f32 v26, v27;
	v27 =	vld [tilespmem:s25+$0x3490]  }
0xce: {  	v33 =	vmul.f32 v35, v35;
	v34 =	vsub.f32 v22, v34;
	v22 =	vsub.f32 v22, v31;
	v31 =	vld [tilespmem:s25+$0x14A0]  }
0xcf: {  	v28 =	vadd.f32 v30, v28;
	v23 =	vmul.f32 v23, v23;
	v24 =	vadd.f32 v24, v26;
	v26 =	vld [tilespmem:s25+$0x34A0]  }
0xd0: {  	v30 =	vmul.f32 v34, v34;
	v34 =	vsub.f32 v21, v37;
	v21 =	vsub.f32 v21, v29;
	v29 =	vld [tilespmem:s25+$0x14B0]  }
0xd1: {  	v28 =	vadd.f32 v33, v28;
	v22 =	vmul.f32 v22, v22;
	v23 =	vadd.f32 v23, v24;
	v24 =	vld [tilespmem:s25+$0x34B0]  }
0xd2: {  	v33 =	vmul.f32 v34, v34;
	v32 =	vsub.f32 v20, v32;
	v20 =	vsub.f32 v20, v27;
	v27 =	vld [tilespmem:s25+$0x14C0]  }
0xd3: {  	v28 =	vadd.f32 v30, v28;
	v21 =	vmul.f32 v21, v21;
	v22 =	vadd.f32 v22, v23;
	v23 =	vld [tilespmem:s25+$0x34C0]  }
0xd4: {  	v30 =	vmul.f32 v32, v32;
	v31 =	vsub.f32 v19, v31;
	v19 =	vsub.f32 v19, v26;
	v26 =	vld [tilespmem:s25+$0x14D0]  }
0xd5: {  	v28 =	vadd.f32 v33, v28;
	v20 =	vmul.f32 v20, v20;
	v21 =	vadd.f32 v21, v22;
	v22 =	vld [tilespmem:s25+$0x34D0]  }
0xd6: {  	v31 =	vmul.f32 v31, v31;
	v29 =	vsub.f32 v17, v29;
	v17 =	vsub.f32 v17, v24;
	v24 =	vld [tilespmem:s25+$0x14E0]  }
0xd7: {  	v28 =	vadd.f32 v30, v28;
	v19 =	vmul.f32 v19, v19;
	v20 =	vadd.f32 v20, v21;
	v21 =	vld [tilespmem:s25+$0x34E0]  }
0xd8: {  	v29 =	vmul.f32 v29, v29;
	v27 =	vsub.f32 v16, v27;
	v16 =	vsub.f32 v16, v23;
	v23 =	vld [tilespmem:s25+$0x14F0]  }
0xd9: {  	v28 =	vadd.f32 v31, v28;
	v17 =	vmul.f32 v17, v17;
	v19 =	vadd.f32 v19, v20;
	v20 =	vld [tilespmem:s25+$0x34F0]  }
0xda: {  	v27 =	vmul.f32 v27, v27;
	v26 =	vsub.f32 v15, v26;
	v30 =	vld [tilespmem:s25+$0x4080];
	v15 =	vsub.f32 v15, v22  }
0xdb: {  	v28 =	vadd.f32 v29, v28;
	v16 =	vmul.f32 v16, v16;
	v22 =	vld [tilespmem:s25+$0x80];
	v17 =	vadd.f32 v17, v19  }
0xdc: {  	v26 =	vmul.f32 v26, v26;
	v24 =	vsub.f32 v14, v24;
	v19 =	vld [tilespmem:s25+$0x2080];
	v14 =	vsub.f32 v14, v21  }
0xdd: {  	v27 =	vadd.f32 v27, v28;
	v15 =	vmul.f32 v15, v15;
	v21 =	vld [tilespmem:s25+$0x4090];
	v16 =	vadd.f32 v16, v17  }
0xde: {  	v24 =	vmul.f32 v24, v24;
	v23 =	vsub.f32 v13, v23;
	v17 =	vld [tilespmem:s25+$0x90];
	v13 =	vsub.f32 v13, v20  }
0xdf: {  	v26 =	vadd.f32 v26, v27;
	v14 =	vmul.f32 v14, v14;
	v20 =	vld [tilespmem:s25+$0x2090];
	v15 =	vadd.f32 v15, v16  }
0xe0: {  	v18 =	vadd.f32 v25, v18;
	v23 =	vmul.f32 v23, v23;
	v16 =	vsub.f32 v30, v22;
	v22 =	vld [tilespmem:s25+$0x40A0]  }
0xe1: {  	v24 =	vadd.f32 v24, v26;
	v13 =	vmul.f32 v13, v13;
	v25 =	vld [tilespmem:s25+$0xA0];
	v14 =	vadd.f32 v14, v15  }
0xe2: {  	vm2 =	vlt.f32 v18, $0.0e+00;
	v15 =	vsub.f32 v30, v19;
	v16 =	vmul.f32 v16, v16;
	v19 =	vld [tilespmem:s25+$0x20A0]  }
0xe3: {  	vm3 =	vgt.f32 v18, $0.0e+00;
	v23 =	vadd.f32 v23, v24;
	v26 =	vld [tilespmem:s25+$0x40B0];
	v13 =	vadd.f32 v13, v14  }
0xe4: {  	v14 =	vmul.f32 v15, v15;
	v15 =	vsub.f32 v21, v17;
	v17 =	vsub.f32 v21, v20;
	v18 =	vld [tilespmem:s25+$0xB0]  }
0xe5: {  	v21 =	vsel vm2, $0x1, v8;
	v20 =	vld [tilespmem:s25+$0x20B0];
	v13 =	vsub.f32 v23, v13;
	v23 =	vsel vm3, $0x1, v8  }
0xe6: {  	v15 =	vmul.f32 v15, v15;
	v17 =	vmul.f32 v17, v17;
	v24 =	vsub.f32 v22, v25;
	v25 =	vld [tilespmem:s25+$0x40C0]  }
0xe7: {  	v12 =	vsel vm1, v21, v12;
	v19 =	vsub.f32 v22, v19;
	v22 =	vld [tilespmem:s25+$0xC0];
	v27 =	vperm.xlane v13, v4  }
0xe8: {  	v15 =	vadd.f32 v15, v16;
	v14 =	vadd.f32 v17, v14;
	v16 =	vmul.f32 v24, v24;
	v17 =	vld [tilespmem:s25+$0x20C0]  }
0xe9: {  	v19 =	vmul.f32 v19, v19;
	v18 =	vsub.f32 v26, v18;
	v21 =	vld [tilespmem:s25+$0x40D0];
	v13 =	vadd.f32 v27, v13  }
0xea: {  	v11 =	vsel vm1, v23, v11;
	v15 =	vadd.f32 v16, v15;
	v16 =	vsub.f32 v26, v20;
	v20 =	vld [tilespmem:s25+$0xD0]  }
0xeb: {  	v14 =	vadd.f32 v19, v14;
	v18 =	vmul.f32 v18, v18;
	v19 =	vld [tilespmem:s25+$0x20D0];
	v23 =	vperm.xlane v13, v5  }
0xec: {  	v16 =	vmul.f32 v16, v16;
	v22 =	vsub.f32 v25, v22;
	v24 =	vld [tilespmem:s25+$0x40E0]  }
0xed: {  	v17 =	vsub.f32 v25, v17;
	v25 =	vld [tilespmem:s25+$0xE0];
	v13 =	vadd.f32 v23, v13  }
0xee: {  	v15 =	vadd.f32 v18, v15;
	v14 =	vadd.f32 v16, v14;
	v16 =	vmul.f32 v22, v22;
	v18 =	vld [tilespmem:s25+$0x20E0]  }
0xef: {  	v17 =	vmul.f32 v17, v17;
	v20 =	vsub.f32 v21, v20;
	v22 =	vld [tilespmem:s25+$0x40F0];
	v23 =	vperm.xlane v13, v6  }
0xf0: {  	v15 =	vadd.f32 v16, v15;
	v16 =	vsub.f32 v21, v19;
	v19 =	vld [tilespmem:s25+$0xF0]  }
0xf1: {  	v14 =	vadd.f32 v17, v14;
	v17 =	vmul.f32 v20, v20;
	v20 =	vld [tilespmem:s25+$0x20F0];
	v13 =	vadd.f32 v23, v13  }
0xf2: {  	v16 =	vmul.f32 v16, v16;
	v21 =	vsub.f32 v24, v25;
	v23 =	vld [tilespmem:s25+$0x4480]  }
0xf3: {  	v15 =	vadd.f32 v17, v15;
	v17 =	vsub.f32 v24, v18;
	v18 =	vld [tilespmem:s25+$0x480];
	v24 =	vperm.xlane v13, v7  }
0xf4: {  	v14 =	vadd.f32 v16, v14;
	v16 =	vmul.f32 v21, v21;
	v21 =	vld [tilespmem:s25+$0x2480]  }
0xf5: {  	v17 =	vmul.f32 v17, v17;
	v19 =	vsub.f32 v22, v19;
	v25 =	vld [tilespmem:s25+$0x4490];
	v13 =	vadd.f32 v24, v13  }
0xf6: {  	v15 =	vadd.f32 v16, v15;
	v16 =	vsub.f32 v22, v20;
	v20 =	vld [tilespmem:s25+$0x490]  }
0xf7: {  	v22 =	vmov s26;
	s26 =	smov.u32 s30;
	v14 =	vadd.f32 v17, v14;
	v17 =	vld [tilespmem:s25+$0x2490];
	vm2 =	vgt.f32 v13, $0.0e+00  }
0xf8: {  	v19 =	vmul.f32 v19, v19;
	vm1 =	veq.s32 v22, v0;
	v24 =	vld [tilespmem:s25+$0x44A0];
	v22 =	vsel vm2, $0x1, v8  }
0xf9: {  	v16 =	vmul.f32 v16, v16;
	v18 =	vsub.f32 v23, v18;
	v26 =	vld [tilespmem:s25+$0x4A0];
	v10 =	vsel vm1, v22, v10  }
0xfa: {  	vm2 =	vlt.f32 v13, $0.0e+00;
	v15 =	vadd.f32 v19, v15;
	v19 =	vsub.f32 v23, v21;
	v21 =	vld [tilespmem:s25+$0x24A0]  }
0xfb: {  	v13 =	vadd.f32 v16, v14;
	v14 =	vmul.f32 v18, v18;
	v16 =	vsub.f32 v25, v20;
	v18 =	vld [tilespmem:s25+$0x44B0]  }
0xfc: {  	v22 =	vsel vm2, $0x1, v8;
	v19 =	vmul.f32 v19, v19;
	v17 =	vsub.f32 v25, v17;
	v20 =	vld [tilespmem:s25+$0x4B0]  }
0xfd: {  	v9 =	vsel vm1, v22, v9;
	v14 =	vadd.f32 v14, v15;
	v15 =	vmul.f32 v16, v16;
	v16 =	vld [tilespmem:s25+$0x24B0]  }
0xfe: {  	v13 =	vadd.f32 v19, v13;
	v17 =	vmul.f32 v17, v17;
	v19 =	vsub.f32 v24, v26;
	v22 =	vld [tilespmem:s25+$0x44C0]  }
0xff: {  	v14 =	vadd.f32 v15, v14;
	v15 =	vsub.f32 v24, v21;
	v21 =	vld [tilespmem:s25+$0x4C0]  }
0x100: {  	v13 =	vadd.f32 v17, v13;
	v17 =	vmul.f32 v19, v19;
	v19 =	vld [tilespmem:s25+$0x24C0]  }
0x101: {  	v15 =	vmul.f32 v15, v15;
	v20 =	vsub.f32 v18, v20;
	v23 =	vld [tilespmem:s25+$0x44D0]  }
0x102: {  	v14 =	vadd.f32 v17, v14;
	v16 =	vsub.f32 v18, v16;
	v17 =	vld [tilespmem:s25+$0x4D0]  }
0x103: {  	v13 =	vadd.f32 v15, v13;
	v15 =	vmul.f32 v20, v20;
	v18 =	vld [tilespmem:s25+$0x24D0]  }
0x104: {  	v16 =	vmul.f32 v16, v16;
	v20 =	vsub.f32 v22, v21;
	v21 =	vld [tilespmem:s25+$0x44E0]  }
0x105: {  	v14 =	vadd.f32 v15, v14;
	v15 =	vsub.f32 v22, v19;
	v19 =	vld [tilespmem:s25+$0x4E0]  }
0x106: {  	v13 =	vadd.f32 v16, v13;
	v16 =	vmul.f32 v20, v20;
	v20 =	vld [tilespmem:s25+$0x24E0]  }
0x107: {  	s28 =	sadd.s32 $0x80, s28;
	s29 =	sadd.s32 $0x100, s29;
	v15 =	vmul.f32 v15, v15;
	v17 =	vsub.f32 v23, v17;
	v22 =	vld [tilespmem:s25+$0x44F0]  }
0x108: {  	s31 =	sand.u32 $0x800, s29;
	s1 =	sand.u32 $0x380, s28;
	v16 =	vadd.f32 v16, v14;
	v14 =	vsub.f32 v23, v18;
	v18 =	vld [tilespmem:s25+$0x4F0]  }
0x109: {  	v23 =	vadd.f32 v15, v13;
	v15 =	vmul.f32 v17, v17;
	v24 =	vld [tilespmem:s25+$0x24F0];
	s25 =	sor.u32 s31, s1  }
0x10a: {  	v13 =	vld [tilespmem:s25+$0x54F0];
	v17 =	vmul.f32 v14, v14;
	v19 =	vsub.f32 v21, v19  }
0x10b: {  	v14 =	vld [tilespmem:s25+$0x54E0];
	v25 =	vadd.f32 v15, v16;
	v20 =	vsub.f32 v21, v20  }
0x10c: {  	v15 =	vld [tilespmem:s25+$0x54D0];
	v21 =	vadd.f32 v17, v23;
	v19 =	vmul.f32 v19, v19  }
0x10d: {  	v16 =	vld [tilespmem:s25+$0x54C0];
	v20 =	vmul.f32 v20, v20;
	v18 =	vsub.f32 v22, v18  }
0x10e: {  	v17 =	vld [tilespmem:s25+$0x54B0];
	v23 =	vadd.f32 v19, v25;
	v22 =	vsub.f32 v22, v24  }
0x10f: {  	v19 =	vld [tilespmem:s25+$0x54A0];
	v24 =	vadd.f32 v20, v21;
	v18 =	vmul.f32 v18, v18  }
0x110: {  	v20 =	vld [tilespmem:s25+$0x5490];
	v25 =	vmul.f32 v22, v22  }
0x111: {  	v21 =	vld [tilespmem:s25+$0x5480];
	v18 =	vadd.f32 v18, v23  }
0x112: {  	v22 =	vld [tilespmem:s25+$0x50F0];
	v25 =	vadd.f32 v25, v24  }
0x113: {  	v23 =	vld [tilespmem:s25+$0x50E0]  }
0x114: {  	v24 =	vld [tilespmem:s25+$0x50D0];
	v18 =	vsub.f32 v18, v25  }
0x115: {  	v26 =	vld [tilespmem:s25+$0x50C0]  }
0x116: {  	v27 =	vld [tilespmem:s25+$0x50B0];
	v25 =	vperm.xlane v18, v4  }
0x117: {  	v28 =	vld [tilespmem:s25+$0x10B0]  }
.Ltmp0:
0x118: {  	v29 =	vld [tilespmem:s25+$0x50A0];
	v18 =	vadd.f32 v25, v18;
	(pc) =	sbr.rel @p0 .LBB2_2-.Ltmp0, $4  }
0x119: {  	v25 =	vld [tilespmem:s25+$0x5080]  }
0x11a: {  	v30 =	vld [tilespmem:s25+$0x1080];
	v33 =	vperm.xlane v18, v5  }
0x11b: {  	v32 =	vld [tilespmem:s25+$0x3080]  }
0x11c: {  	s30 =	sadd.s32 $0x1, s30;
	v31 =	vld [tilespmem:s25+$0x5090];
	v18 =	vadd.f32 v33, v18  }
0x11d: {  	v33 =	vld [tilespmem:s25+$0x1090]  }
0x11e: {  	v34 =	vld [tilespmem:s25+$0x3090]  }
0x11f: {  	v35 =	vld [tilespmem:s25+$0x10A0]  }
0x120: {  	v36 =	vld [tilespmem:s25+$0x30A0]  }
0x121: {  	v37 =	vld [tilespmem:s25+$0x30B0]  }
0x122: {  	v38 =	vld [tilespmem:s25+$0x10C0]  }
0x123: {  	v39 =	vld [tilespmem:s25+$0x30C0]  }
0x124: {  	v40 =	vld [tilespmem:s25+$0x10D0]  }
0x125: {  	v41 =	vld [tilespmem:s25+$0x30D0]  }
0x126: {  	v42 =	vld [tilespmem:s25+$0x10E0]  }
0x127: {  	v43 =	vld [tilespmem:s25+$0x30E0]  }
0x128: {  	v44 =	vld [tilespmem:s25+$0x10F0]  }
0x129: {  	v45 =	vld [tilespmem:s25+$0x30F0]  }
0x12a: {  	v46 =	vld [tilespmem:s25+$0x1480]  }
0x12b: {  	v47 =	vld [tilespmem:s25+$0x3480]  }
0x12c: {  	v48 =	vld [tilespmem:s25+$0x1490]  }
0x12d: {  	v49 =	vld [tilespmem:s25+$0x3490]  }
0x12e: {  	v50 =	vld [tilespmem:s25+$0x14B0]  }
0x12f: {  	v57 =	vsub.f32 v31, v33;
	v33 =	vld [tilespmem:s25+$0x14A0]  }
0x130: {  	v58 =	vsub.f32 v31, v34;
	v34 =	vld [tilespmem:s25+$0x34A0]  }
0x131: {  	v59 =	vsub.f32 v29, v36;
	v36 =	vld [tilespmem:s25+$0x34B0]  }
0x132: {  	v60 =	vsub.f32 v27, v37;
	v37 =	vld [tilespmem:s25+$0x34C0]  }
0x133: {  	v61 =	vsub.f32 v26, v38;
	v38 =	vld [tilespmem:s25+$0x34D0]  }
0x134: {  	v62 =	vsub.f32 v26, v39;
	v39 =	vld [tilespmem:s25+$0x34E0]  }
0x135: {  	v28 =	vsub.f32 v27, v28;
	v63 =	vsub.f32 v24, v40;
	v40 =	vld [tilespmem:s25+$0x34F0]  }
0x136: {  	v30 =	vsub.f32 v25, v30;
	v51 =	vsub.f32 v24, v41;
	v41 =	vld [tilespmem:s25+$0x80]  }
0x137: {  	v56 =	vsub.f32 v25, v32;
	v53 =	vsub.f32 v23, v43;
	v43 =	vld [tilespmem:s25+$0x2090]  }
0x138: {  	v28 =	vmul.f32 v28, v28;
	v30 =	vmul.f32 v30, v30;
	v55 =	vsub.f32 v22, v45;
	v45 =	vld [tilespmem:s25+$0x40A0]  }
0x139: {  	v25 =	vmul.f32 v56, v56;
	v35 =	vsub.f32 v29, v35;
	v31 =	vmul.f32 v58, v58;
	v58 =	vld [tilespmem:s25+$0x2080]  }
0x13a: {  	v52 =	vsub.f32 v23, v42;
	v32 =	vmul.f32 v57, v57;
	v27 =	vmul.f32 v60, v60;
	v60 =	vld [tilespmem:s25+$0x4090]  }
0x13b: {  	v54 =	vsub.f32 v22, v44;
	v56 =	vsub.f32 v21, v46;
	v26 =	vmul.f32 v62, v62;
	v62 =	vld [tilespmem:s25+$0x90]  }
0x13c: {  	v35 =	vmul.f32 v35, v35;
	v57 =	vsub.f32 v21, v47;
	v47 =	vld [tilespmem:s25+$0xA0];
	v30 =	vadd.f32 v32, v30  }
0x13d: {  	v29 =	vmul.f32 v59, v59;
	v24 =	vmul.f32 v51, v51;
	v51 =	vld [tilespmem:s25+$0x40B0];
	v25 =	vadd.f32 v31, v25  }
0x13e: {  	v46 =	vsub.f32 v17, v50;
	v23 =	vmul.f32 v53, v53;
	v53 =	vld [tilespmem:s25+$0xB0];
	v30 =	vadd.f32 v35, v30  }
0x13f: {  	v22 =	vmul.f32 v55, v55;
	v59 =	vsub.f32 v20, v48;
	v55 =	vld [tilespmem:s25+$0x40C0];
	v25 =	vadd.f32 v29, v25  }
0x140: {  	v32 =	vld [tilespmem:s25+$0x14C0];
	v31 =	vmul.f32 v61, v61;
	v61 =	vsub.f32 v20, v49;
	v28 =	vadd.f32 v28, v30  }
0x141: {  	v21 =	vmul.f32 v57, v57;
	v49 =	vld [tilespmem:s25+$0x20A0];
	v44 =	vsub.f32 v19, v34;
	v25 =	vadd.f32 v27, v25  }
0x142: {  	v48 =	vsub.f32 v17, v36;
	v29 =	vmul.f32 v63, v63;
	v28 =	vadd.f32 v31, v28;
	v31 =	vld [tilespmem:s25+$0x14F0]  }
0x143: {  	v63 =	vsub.f32 v19, v33;
	v25 =	vadd.f32 v26, v25;
	v26 =	vmul.f32 v54, v54;
	v54 =	vld [tilespmem:s25+$0x20B0]  }
0x144: {  	v35 =	vld [tilespmem:s25+$0x14D0];
	v20 =	vmul.f32 v61, v61;
	v33 =	vsub.f32 v60, v43;
	v34 =	vsub.f32 v45, v47  }
0x145: {  	v61 =	vld [tilespmem:s25+$0x20D0];
	v27 =	vmul.f32 v52, v52;
	v28 =	vadd.f32 v29, v28;
	v24 =	vadd.f32 v24, v25  }
0x146: {  	v19 =	vmul.f32 v44, v44;
	v52 =	vsub.f32 v16, v37;
	v50 =	vsub.f32 v16, v32;
	v29 =	vld [tilespmem:s25+$0x4080]  }
0x147: {  	v17 =	vmul.f32 v48, v48;
	v44 =	vld [tilespmem:s25+$0xE0];
	v27 =	vadd.f32 v27, v28;
	v23 =	vadd.f32 v23, v24  }
0x148: {  	v47 =	vld [tilespmem:s25+$0x40F0];
	v33 =	vmul.f32 v33, v33;
	v32 =	vsub.f32 v51, v54;
	v31 =	vsub.f32 v13, v31  }
0x149: {  	v30 =	vld [tilespmem:s25+$0x14E0];
	v25 =	vmul.f32 v56, v56;
	v26 =	vadd.f32 v26, v27;
	v22 =	vadd.f32 v22, v23  }
0x14a: {  	v23 =	vmul.f32 v63, v63;
	v27 =	vsub.f32 v60, v62;
	v62 =	vsub.f32 v45, v49;
	v63 =	vld [tilespmem:s25+$0x40E0]  }
0x14b: {  	v24 =	vmul.f32 v59, v59;
	v45 =	vld [tilespmem:s25+$0x20E0];
	v57 =	vsub.f32 v29, v41;
	v28 =	vsub.f32 v29, v58  }
0x14c: {  	v49 =	vld [tilespmem:s25+$0xF0];
	v25 =	vadd.f32 v25, v26;
	v21 =	vadd.f32 v21, v22;
	v27 =	vmul.f32 v27, v27  }
0x14d: {  	v37 =	vld [tilespmem:s25+$0x4A0];
	v13 =	vsub.f32 v13, v40;
	v36 =	vmul.f32 v57, v57;
	v28 =	vmul.f32 v28, v28  }
0x14e: {  	v43 =	vmul.f32 v34, v34;
	v59 =	vld [tilespmem:s25+$0x40D0];
	v24 =	vadd.f32 v24, v25;
	v20 =	vadd.f32 v20, v21  }
0x14f: {  	v16 =	vmul.f32 v52, v52;
	v60 =	vld [tilespmem:s25+$0xD0];
	v41 =	vadd.f32 v27, v36;
	v42 =	vadd.f32 v33, v28  }
0x150: {  	v56 =	vld [tilespmem:s25+$0xC0];
	v48 =	vmul.f32 v32, v32;
	v33 =	vsub.f32 v63, v44;
	v25 =	vsub.f32 v63, v45  }
0x151: {  	v54 =	vld [tilespmem:s25+$0x480];
	v34 =	vmul.f32 v31, v31;
	v28 =	vsub.f32 v47, v49;
	v23 =	vadd.f32 v23, v24  }
0x152: {  	v40 =	vld [tilespmem:s25+$0x44B0];
	v13 =	vmul.f32 v13, v13;
	v19 =	vadd.f32 v19, v20;
	v20 =	vsub.f32 v15, v35  }
0x153: {  	v58 =	vld [tilespmem:s25+$0x20C0];
	v22 =	vmul.f32 v46, v46;
	v15 =	vsub.f32 v15, v38;
	v24 =	vsub.f32 v51, v53  }
0x154: {  	v21 =	vmul.f32 v50, v50;
	v50 =	vld [tilespmem:s25+$0x20F0];
	v53 =	vsub.f32 v59, v60;
	v46 =	vadd.f32 v43, v41  }
0x155: {  	v63 =	vld [tilespmem:s25+$0x44A0];
	v25 =	vmul.f32 v25, v25;
	v22 =	vadd.f32 v22, v23;
	v17 =	vadd.f32 v17, v19  }
0x156: {  	v44 =	vld [tilespmem:s25+$0x24B0];
	v28 =	vmul.f32 v28, v28;
	v19 =	vsub.f32 v14, v30;
	v14 =	vsub.f32 v14, v39  }
0x157: {  	v51 =	vld [tilespmem:s25+$0x4480];
	v30 =	vsub.f32 v55, v56;
	v21 =	vadd.f32 v21, v22;
	v22 =	vmul.f32 v62, v62  }
0x158: {  	v60 =	vld [tilespmem:s25+$0x490];
	v24 =	vmul.f32 v24, v24;
	v23 =	vsub.f32 v55, v58;
	v55 =	vsub.f32 v59, v61  }
0x159: {  	v38 =	vld [tilespmem:s25+$0x24A0];
	v57 =	vmul.f32 v53, v53;
	v20 =	vmul.f32 v20, v20;
	v22 =	vadd.f32 v22, v42  }
0x15a: {  	v56 =	vld [tilespmem:s25+$0x2480];
	v16 =	vadd.f32 v16, v17;
	v17 =	vadd.f32 v24, v46;
	v52 =	vmul.f32 v30, v30  }
0x15b: {  	v58 =	vld [tilespmem:s25+$0x4490];
	v26 =	vsub.f32 v47, v50;
	v23 =	vmul.f32 v23, v23;
	v22 =	vadd.f32 v48, v22  }
0x15c: {  	v61 =	vld [tilespmem:s25+$0x2490];
	v15 =	vmul.f32 v15, v15;
	v29 =	vsub.f32 v63, v37;
	v17 =	vadd.f32 v52, v17  }
0x15d: {  	v53 =	vld [tilespmem:s25+$0x4D0];
	v59 =	vmul.f32 v55, v55;
	v39 =	vsub.f32 v51, v54;
	v22 =	vadd.f32 v23, v22  }
0x15e: {  	v62 =	vmul.f32 v33, v33;
	v46 =	vld [tilespmem:s25+$0x44C0];
	v20 =	vadd.f32 v20, v21;
	v17 =	vadd.f32 v57, v17  }
0x15f: {  	v19 =	vmul.f32 v19, v19;
	v55 =	vld [tilespmem:s25+$0x24D0];
	v15 =	vadd.f32 v15, v16;
	v22 =	vadd.f32 v59, v22  }
0x160: {  	v14 =	vmul.f32 v14, v14;
	v33 =	vld [tilespmem:s25+$0x24F0];
	v41 =	vsub.f32 v51, v56;
	v17 =	vadd.f32 v62, v17  }
0x161: {  	v26 =	vmul.f32 v26, v26;
	v42 =	vld [tilespmem:s25+$0x4B0];
	v45 =	vsub.f32 v58, v60;
	v22 =	vadd.f32 v25, v22  }
0x162: {  	v43 =	vmul.f32 v39, v39;
	v51 =	vld [tilespmem:s25+$0x24C0];
	v56 =	vsub.f32 v40, v44;
	v17 =	vadd.f32 v28, v17  }
0x163: {  	v48 =	vld [tilespmem:s25+$0x4C0];
	v21 =	vmul.f32 v41, v41;
	v23 =	vsub.f32 v58, v61;
	v22 =	vadd.f32 v26, v22  }
0x164: {  	v52 =	vld [tilespmem:s25+$0x44D0];
	v19 =	vadd.f32 v19, v20;
	v49 =	vmul.f32 v45, v45;
	v47 =	vadd.f32 v43, v17  }
0x165: {  	v57 =	vld [tilespmem:s25+$0x44E0];
	v50 =	vmul.f32 v23, v23;
	v25 =	vsub.f32 v63, v38;
	v21 =	vadd.f32 v21, v22  }
0x166: {  	v54 =	vmul.f32 v29, v29;
	v14 =	vadd.f32 v14, v15;
	v58 =	vld [tilespmem:s25+$0x4E0];
	v24 =	vsub.f32 v40, v42  }
0x167: {  	v59 =	vld [tilespmem:s25+$0x24E0];
	v16 =	vadd.f32 v49, v47;
	v25 =	vmul.f32 v25, v25;
	v21 =	vadd.f32 v50, v21  }
0x168: {  	v20 =	vmul.f32 v56, v56;
	v61 =	vld [tilespmem:s25+$0x44F0];
	v23 =	vsub.f32 v46, v51;
	v17 =	vsub.f32 v46, v48  }
0x169: {  	v24 =	vmul.f32 v24, v24;
	v63 =	vld [tilespmem:s25+$0x4F0];
	v16 =	vadd.f32 v54, v16;
	v21 =	vadd.f32 v25, v21  }
0x16a: {  	v32 =	vsub.f32 v52, v55;
	v62 =	vmul.f32 v23, v23;
	v22 =	vsub.f32 v52, v53  }
0x16b: {  	v17 =	vmul.f32 v17, v17;
	v60 =	vadd.f32 v24, v16;
	v20 =	vadd.f32 v20, v21  }
0x16c: {  	v37 =	vmul.f32 v32, v32;
	v38 =	vsub.f32 v57, v58;
	v39 =	vsub.f32 v57, v59  }
0x16d: {  	v36 =	vmul.f32 v22, v22;
	v15 =	vadd.f32 v17, v60;
	v35 =	vadd.f32 v62, v20  }
0x16e: {  	v40 =	vmul.f32 v38, v38;
	v42 =	vsub.f32 v61, v63;
	v16 =	vsub.f32 v61, v33  }
0x16f: {  	v41 =	vmul.f32 v39, v39;
	v15 =	vadd.f32 v36, v15;
	v17 =	vadd.f32 v37, v35  }
0x170: {  	v19 =	vadd.f32 v34, v19;
	v13 =	vadd.f32 v13, v14;
	v45 =	vmul.f32 v42, v42  }
0x171: {  	v16 =	vmul.f32 v16, v16;
	v43 =	vadd.f32 v40, v15;
	v44 =	vadd.f32 v41, v17  }
0x172: {  	v13 =	vsub.f32 v19, v13  }
0x173: {  	v14 =	vadd.f32 v45, v43;
	v15 =	vadd.f32 v16, v44  }
0x174: {  	v46 =	vperm.xlane v13, v4  }
0x175: {  	v14 =	vsub.f32 v14, v15  }
0x176: {  	v13 =	vadd.f32 v46, v13  }
0x177: {  	v15 =	vperm.xlane v14, v4  }
0x178: {  	v16 =	vperm.xlane v13, v5  }
0x179: {  	v14 =	vadd.f32 v15, v14  }
0x17a: {  	v13 =	vadd.f32 v16, v13  }
0x17b: {  	v47 =	vperm.xlane v18, v6;
	v48 =	vperm.xlane v14, v5  }
0x17c: {  	v49 =	vperm.xlane v13, v6  }
0x17d: {  	v15 =	vadd.f32 v47, v18;
	v14 =	vadd.f32 v48, v14  }
0x17e: {  	v13 =	vadd.f32 v49, v13  }
0x17f: {  	v50 =	vperm.xlane v15, v7;
	v51 =	vperm.xlane v14, v6  }
0x180: {  	v52 =	vperm.xlane v13, v7  }
0x181: {  	v15 =	vadd.f32 v50, v15;
	v14 =	vadd.f32 v51, v14  }
0x182: {  	v13 =	vadd.f32 v52, v13  }
0x183: {  	v55 =	vld [tilespmem:$0x0];
	vm2 =	vlt.f32 v15, $0.0e+00;
	vm3 =	vgt.f32 v15, $0.0e+00;
	v54 =	vperm.xlane v14, v7  }
0x184: {  	v58 =	vmov s26;
	v57 =	vld [tilespmem:$0x20];
	v53 =	vsel vm2, $0x1, v8;
	v56 =	vsel vm3, $0x1, v8  }
0x185: {  	v59 =	vld [tilespmem:$0x10];
	vm2 =	vgt.f32 v13, $0.0e+00;
	v12 =	vsel vm1, v53, v12;
	v14 =	vadd.f32 v54, v14  }
0x186: {  	v61 =	vld [tilespmem:$0x30];
	v11 =	vsel vm1, v56, v11;
	vm1 =	veq.s32 v58, v0;
	v60 =	vsel vm2, $0x1, v8  }
0x187: {  	vm2 =	vlt.f32 v13, $0.0e+00;
	v10 =	vsel vm1, v60, v10;
	vm3 =	vlt.f32 v14, $0.0e+00  }
0x188: {  	v13 =	vsel vm2, $0x1, v8;
	vm2 =	vgt.f32 v14, $0.0e+00;
	v62 =	vsel vm3, $0x1, v8  }
0x189: {  	v9 =	vsel vm1, v13, v9;
	v63 =	vsel vm2, $0x1, v8;
	v12 =	vsel vm1, v62, v12  }
0x18a: {  	vm2 =	vlt.s32 v55, v57;
	v11 =	vsel vm1, v63, v11;
	vm1 =	veq.s32 v12, $0x0  }
0x18b: {  	vm3 =	veq.s32 v11, $0x0;
	v11 =	vsel vm2, v55, v57;
	vm2 =	vlt.s32 v59, v61  }
0x18c: {  	v11 =	vsel vm3, v11, v57;
	vm3 =	veq.s32 v10, $0x0;
	v10 =	vsel vm2, v59, v61  }
0x18d: {  	s24 =	sadd.s32 $0x1, s24;
	v11 =	vsel vm1, v11, v55;
	vm1 =	veq.s32 v9, $0x0;
	v9 =	vsel vm3, v10, v61  }
0x18e: {  	p0 =	sne.s32 s24, s8;
	[tilespmem:$0x6080] =	vst v11;
	v9 =	vsel vm1, v9, v59  }
.Ltmp1:
0x18f: {  	[tilespmem:$0x6090] =	vst v9;
	(pc) =	sbr.rel @p0 .LBB2_1-.Ltmp1, $4  }
0x190: {  	[hbm4b:s7+s2] =	stream.linear.scatter [tilespmem:s22], [sflag:$0x4], $0x20, $0x38;
	[tilespmem:$0x6100] =	vst v63  }
0x191: {  	_ =	swait.ge [sflag:s23], $0x20  }
0x192: {  	[sflag:s23] =	ssyncset.done $0x0  }
0x193: {  	[sflag:s23] =	ssyncadd.s32 $0xFFFFFFE0  }
0x194: {  	_ =	sfence.sel $0x180000  }
0x195: {  	[bflag:$0x0] =	sbarrier.arrive $0xFFFF  }
0x196: {  	_ =	strace $0x90000047  }
0x197: {  	[bflag:$0x2] =	sbarrier.arrive $0xFFFF  }
0x198: {  	p0 =	sne.s32 s3, $0x0;
	s0 =	rddreg [dreg:$0x5]  }
0x199: {  	s0 =	sadd.s32 @!p0 $0x100000, s0  }
0x19a: {  	[sflag:s0] =	ssyncadd.tile.s32 @!p0 $0x1;
	_ =	shalt  }
.Lfunc_end2:
_tile_overlayer_lowered:
.L_overlay_start_2:
0x19b: {  	(tag) =	ssettag $0x2  }
0x19c: {  	s0 =	rddreg [dreg:$0x0];
	s2 =	stileid.u32  }
0x19d: {  	s1 =	rddreg [dreg:$0x1];
	p0 =	sne.s32 s2, $0x0  }
0x19e: {  	s3 =	rddreg [dreg:$0x2];
	[bflag:$0x3] =	sbarrier.arrive $0xFFFF;
	s2 =	simm.s32 @!p0 $0x1C04  }
0x19f: {  	[timem:s3], [sflag:s2] =	dma.local @!p0 [hbm:s0], s1  }
0x1a0: {  	s0 =	simm.s32 @!p0 $0x4  }
0x1a1: {  	_ =	swait.ge @!p0 [sflag:s0], s1  }
0x1a2: {  	s1 =	ssub.s32 @!p0 $0x0, s1;
	[sflag:s0] =	ssyncset.done @!p0 $0x0  }
0x1a3: {  	[sflag:s0] =	ssyncadd.s32 @!p0 s1  }
0x1a4: {  	[bflag:$0x3] =	sbarrier.arrive $0xFFFF  }
0x1a5: {  	_ =	shalt  }

</sc_bundles>
